<compile_context>
chip_gen: v7x
topology: tpu7x:2x2x1
jax: 0.10.2.dev20260603
libtpu: 0.0.44.dev20260713+nightly
codegen_flags: <defaults>
</compile_context>

<pallas_src>
import functools

import jax
import jax.numpy as jnp
from jax import lax
from jax.experimental import pallas as pl
from jax.experimental.pallas import tpu as pltpu
from jax.experimental.pallas import tpu_sc as plsc

_NUM_CORES = 2
_NUM_SUBCORES = 16
_NUM_WORKERS = _NUM_CORES * _NUM_SUBCORES


def _sc_gather(wt, sidx, B, I, O, chunk):
    cpb = I // chunk
    n_chunks = B * cpb
    per_w = n_chunks // _NUM_WORKERS
    assert I % chunk == 0 and n_chunks % _NUM_WORKERS == 0 and chunk % 8 == 0

    mesh = plsc.VectorSubcoreMesh(core_axis_name="c", subcore_axis_name="s")

    @functools.partial(
        pl.kernel,
        out_type=jax.ShapeDtypeStruct((B, I, O), wt.dtype),
        mesh=mesh,
        scratch_types=[
            pltpu.VMEM((chunk,), jnp.int32),
            pltpu.VMEM((chunk, O), wt.dtype),
            pltpu.SemaphoreType.DMA,
        ],
    )
    def gather_kernel(wt_hbm, idx_hbm, g_hbm, idx_v, rows_v, sem):
        wid = lax.axis_index("s") * _NUM_CORES + lax.axis_index("c")
        base = wid * per_w

        def body(c, _):
            gc = base + c
            b = gc // cpb
            i0 = pl.multiple_of((gc % cpb) * chunk, 8)
            pltpu.sync_copy(idx_hbm.at[pl.ds(pl.multiple_of(gc * chunk, 8),
                                             chunk)], idx_v)
            pltpu.async_copy(wt_hbm.at[idx_v], rows_v, sem).wait()
            pltpu.sync_copy(rows_v, g_hbm.at[b, pl.ds(i0, chunk)])
            return _

        lax.fori_loop(0, per_w, body, 0)

    return gather_kernel(wt, sidx.reshape(B * I))


def _snn_half(w, wp, xs, xsp, ii, I):
    ws = w + wp
    ms = w * xs + wp * xsp
    u = ws - 1.0
    cond = (ms > xs * u) & (ws > 1.0)
    key = jnp.where(cond, ii, I)
    imin = jnp.min(key, axis=0, keepdims=True)
    sel = ii == imin
    ms_sel = jnp.sum(jnp.where(sel, ms, 0.0), axis=0, keepdims=True)
    u_sel = jnp.sum(jnp.where(sel, u, 0.0), axis=0, keepdims=True)
    d_sel = jnp.maximum(u_sel, 1e-10)
    return jnp.where(imin == I, jnp.float32(1e10), ms_sel / d_sel)


def _dense_body(g_ref, x2_ref, o_ref, *, I, Oh, R):
    ii = lax.broadcasted_iota(jnp.int32, (I, Oh), 0)
    ones = jnp.ones((1, Oh), jnp.float32)
    dims = (((0,), (0,)), ((), ()))
    for r in range(R):
        g = g_ref[r]
        gp = jnp.where(ii > 0, pltpu.roll(g, 1, axis=0), 0)
        w_lo = lax.bitcast_convert_type(g << 16, jnp.float32)
        w_hi = lax.bitcast_convert_type(g & jnp.int32(-65536), jnp.float32)
        wp_lo = lax.bitcast_convert_type(gp << 16, jnp.float32)
        wp_hi = lax.bitcast_convert_type(gp & jnp.int32(-65536), jnp.float32)
        t = x2_ref[r]
        xs = lax.dot_general(t[0:1, :], ones, dims,
                             preferred_element_type=jnp.float32)
        xsp = lax.dot_general(t[1:2, :], ones, dims,
                              preferred_element_type=jnp.float32)
        out_lo = _snn_half(w_lo, wp_lo, xs, xsp, ii, I)
        out_hi = _snn_half(w_hi, wp_hi, xs, xsp, ii, I)
        o_ref[r] = jnp.concatenate([out_lo, out_hi], axis=1)


def _tc_dense(g3, x2, rows_per_step=4):
    B, I, Oh = g3.shape
    R = rows_per_step
    return pl.pallas_call(
        functools.partial(_dense_body, I=I, Oh=Oh, R=R),
        grid=(B // R,),
        in_specs=[
            pl.BlockSpec((R, I, Oh), lambda b: (b, 0, 0)),
            pl.BlockSpec((R, 2, I), lambda b: (b, 0, 0)),
        ],
        out_specs=pl.BlockSpec((R, 1, 2 * Oh), lambda b: (b, 0, 0)),
        out_shape=jax.ShapeDtypeStruct((B, 1, 2 * Oh), jnp.float32),
    )(g3, x2)


def kernel(input, W):
    B, I = input.shape
    O = W.shape[0]
    O_pad = ((O + 127) // 128) * 128
    Oh = O_pad // 2
    wtb = jnp.pad(W.T, ((0, 0), (0, O_pad - O))).astype(jnp.bfloat16)
    wt_pack = lax.bitcast_convert_type(
        jnp.stack([wtb[:, :Oh], wtb[:, Oh:]], axis=-1), jnp.int32)
    K = 4
    Bc = B // K
    iota = jax.lax.broadcasted_iota(jnp.int32, (Bc, I), 1)
    outs = []
    for k in range(K):
        sl = slice(k * Bc, (k + 1) * Bc)
        x_s, sidx = jax.lax.sort((input[sl], iota), dimension=1, num_keys=1,
                                 is_stable=True)
        g = _sc_gather(wt_pack, sidx, Bc, I, Oh, chunk=112)
        x_sp = jnp.concatenate([jnp.zeros((Bc, 1), jnp.float32),
                                x_s[:, :-1]], axis=1)
        outs.append(_tc_dense(g, jnp.stack([x_s, x_sp], axis=1)))
    out = jnp.concatenate(outs, axis=0)
    return out.reshape(B, O_pad)[:, :O]

# --- scband reference (transcript-rebuilt; emitter-appended) ---
"""Pipeline reference for scband-snnlayer-65790309040242 (READ-ONLY COPY).

The authoritative reference and input builder live on the scoring server;
editing this copy changes nothing except your own understanding.
"""

import jax, jax.numpy as jnp
import numpy as np

INPUT_SIZE = 784
OUTPUT_SIZE = 400
BATCH = 128


def setup_inputs(seed: int = 0) -> dict:
    key = jax.random.key(seed)
    k1, k2 = jax.random.split(key)
    x = jax.random.uniform(k1, (BATCH, INPUT_SIZE), dtype=jnp.float32)
    # nn.Parameter(torch.rand(O, I) * (10.0 / I) + 0.0 / I)
    W = jax.random.uniform(k2, (OUTPUT_SIZE, INPUT_SIZE), dtype=jnp.float32) * (10.0 / INPUT_SIZE)
    return {"input": x, "W": W}


def reference(input, W):
    B = input.shape[0]
    O, I = W.shape
    # input.sort(dim=1)
    sorted_input = jnp.sort(input, axis=1)                      # [B, I]
    sorted_indices = jnp.argsort(input, axis=1)                 # [B, I]
    # weight_outsize[b, o, i] = W[o, sorted_indices[b, i]]
    weight_outsize = jnp.take(W, sorted_indices, axis=1)        # [O, B, I]
    weight_outsize = jnp.transpose(weight_outsize, (1, 0, 2))   # [B, O, I]
    # input_outsize[b, o, i] = sorted_input[b, i]
    input_outsize = jnp.broadcast_to(sorted_input[:, None, :], (B, O, I))
    weight_input_mul = input_outsize * weight_outsize           # [B, O, I]
    # NOTE: the torch loop builds ADJACENT-PAIR sums, not a cumulative sum:
    # sum[:, :, 0] = mul[:, :, 0]; sum[:, :, i] = mul[:, :, i] + mul[:, :, i-1]
    weight_input_mul_sum = jnp.concatenate(
        [weight_input_mul[:, :, :1],
         weight_input_mul[:, :, 1:] + weight_input_mul[:, :, :-1]], axis=2)
    weight_outsize_sum = jnp.concatenate(
        [weight_outsize[:, :, :1],
         weight_outsize[:, :, 1:] + weight_outsize[:, :, :-1]], axis=2)
    out_all = weight_input_mul_sum / jnp.clip(weight_outsize_sum - 1.0, 1e-10, 1e10)
    out_all = jnp.concatenate(
        [out_all, 1e10 * jnp.ones((B, O, 1), dtype=out_all.dtype)], axis=2)   # [B, O, I+1]
    input_ext = jnp.concatenate(
        [input_outsize, jnp.zeros((B, O, 1), dtype=input_outsize.dtype)], axis=2)
    out_cond1 = out_all > input_ext
    out_cond2 = jnp.concatenate(
        [weight_outsize_sum > 1.0, jnp.ones((B, O, 1), dtype=bool)], axis=2)
    out_cond = jnp.logical_and(out_cond1, out_cond2)
    # torch.max over dim 2 returns the index of the first maximal value;
    # jnp.argmax also returns the first occurrence.
    index = jnp.argmax(out_cond, axis=2)                        # [B, O]
    out = jnp.take_along_axis(out_all, index[:, :, None], axis=2)
    return out.squeeze(-1)                                      # [B, O]

if __name__ == "__main__":
    import jax
    _d = setup_inputs()
    print(jax.jit(kernel)(*tuple(_d.values())))

</pallas_src>

<mosaic_0001>
#map = affine_map<(d0, d1) -> (0, 0)>
#map1 = affine_map<(d0, d1) -> (0)>
#map2 = affine_map<(d0, d1) -> (0, 0, 0)>
module attributes {stable_mosaic.version = 14 : i64} {
  func.func @gather_kernel(%arg0: i32, %arg1: i32, %arg2: memref<784x256xi32, #tpu.memory_space<hbm>>, %arg3: memref<25088xi32, #tpu.memory_space<hbm>>, %arg4: memref<32x784x256xi32, #tpu.memory_space<hbm>>, %arg5: memref<112xi32, #tpu.memory_space<vmem>>, %arg6: memref<112x256xi32, #tpu.memory_space<vmem>>, %arg7: memref<!tpu.dma_semaphore, #tpu.memory_space<semaphore_mem>>) attributes {dimension_semantics = [#tpu.dimension_semantics<core_parallel>, #tpu.dimension_semantics<subcore_parallel>], iteration_bounds = array<i64: 2, 16>, scalar_prefetch = 0 : i64, scratch_operands = 3 : i64, tpu.core_type = #tpu.core_type<sc_vector_subcore>, window_params = [{transform_indices = #map}, {transform_indices = #map1}, {transform_indices = #map2}]} {
    %mul3A = arith.constant 2 : i32
    %mul3A_0 = arith.muli %arg1, %mul3A : i32
    %add3A = arith.addi %mul3A_0, %arg0 : i32
    %mul3A_1 = arith.constant 7 : i32
    %mul3A_2 = arith.muli %add3A, %mul3A_1 : i32
    %scan3A = arith.constant 0 : i32
    %scan3A_3 = arith.constant 0 : i32
    %scan3A_4 = arith.constant 7 : i32
    %scan3A_5 = arith.addi %scan3A_3, %scan3A_4 : i32
    %scan3A_6 = arith.constant 1 : i32
    scf.for %scan3A_8 = %scan3A_3 to %scan3A_5 step %scan3A_6  : i32 {
      %add3A_9 = arith.addi %mul3A_2, %scan3A_8 : i32
      %jit3A = arith.constant 7 : i32
      %div3A = arith.divsi %add3A_9, %jit3A : i32
      %sign3A = arith.constant 0 : i32
      %sign3A_10 = arith.cmpi sgt, %add3A_9, %sign3A : i32
      %sign3A_11 = arith.extui %sign3A_10 : i1 to i32
      %sign3A_12 = arith.constant 0 : i32
      %sign3A_13 = arith.cmpi slt, %add3A_9, %sign3A_12 : i32
      %sign3A_14 = arith.extui %sign3A_13 : i1 to i32
      %sign3A_15 = arith.subi %sign3A_11, %sign3A_14 : i32
      %sign3A_16 = arith.constant 0 : i32
      %sign3A_17 = arith.cmpi sgt, %jit3A, %sign3A_16 : i32
      %sign3A_18 = arith.extui %sign3A_17 : i1 to i32
      %sign3A_19 = arith.constant 0 : i32
      %sign3A_20 = arith.cmpi slt, %jit3A, %sign3A_19 : i32
      %sign3A_21 = arith.extui %sign3A_20 : i1 to i32
      %sign3A_22 = arith.subi %sign3A_18, %sign3A_21 : i32
      %ne3A = arith.cmpi ne, %sign3A_15, %sign3A_22 : i32
      %rem3A = arith.remsi %add3A_9, %jit3A : i32
      %ne3A_23 = arith.constant 0 : i32
      %ne3A_24 = arith.cmpi ne, %rem3A, %ne3A_23 : i32
      %and3A = arith.andi %ne3A, %ne3A_24 : i1
      %sub3A = arith.constant 1 : i32
      %sub3A_25 = arith.subi %div3A, %sub3A : i32
      %select_n3A = arith.select %and3A, %sub3A_25, %div3A : i32
      %jit3A_26 = arith.constant 7 : i32
      %eq3A = arith.constant 0 : i32
      %eq3A_27 = arith.cmpi eq, %jit3A_26, %eq3A : i32
      %jit3A_28 = arith.constant 1 : i32
      %select_n3A_29 = arith.select %eq3A_27, %jit3A_28, %jit3A_26 : i32
      %rem3A_30 = arith.remsi %add3A_9, %select_n3A_29 : i32
      %ne3A_31 = arith.constant 0 : i32
      %ne3A_32 = arith.cmpi ne, %rem3A_30, %ne3A_31 : i32
      %lt3A = arith.constant 0 : i32
      %lt3A_33 = arith.cmpi slt, %rem3A_30, %lt3A : i32
      %lt3A_34 = arith.constant 0 : i32
      %lt3A_35 = arith.cmpi slt, %select_n3A_29, %lt3A_34 : i32
      %ne3A_36 = arith.xori %lt3A_33, %lt3A_35 : i1
      %and3A_37 = arith.andi %ne3A_36, %ne3A_32 : i1
      %add3A_38 = arith.addi %rem3A_30, %select_n3A_29 : i32
      %select_n3A_39 = arith.select %and3A_37, %add3A_38, %rem3A_30 : i32
      %mul3A_40 = arith.constant 112 : i32
      %mul3A_41 = arith.muli %select_n3A_39, %mul3A_40 : i32
      %multiple_of3A = tpu.assume_multiple %mul3A_41, 8 : i32
      %mul3A_42 = arith.constant 112 : i32
      %mul3A_43 = arith.muli %add3A_9, %mul3A_42 : i32
      %multiple_of3A_44 = tpu.assume_multiple %mul3A_43, 8 : i32
      "tpu.region"() ({
        %run_scoped3A = tpu.sem_alloc : memref<!tpu.dma_semaphore, #tpu.memory_space<semaphore_mem>>
        %dma_start3A_49 = tpu.memref_slice %arg3[%multiple_of3A_44] : memref<25088xi32, #tpu.memory_space<hbm>> -> memref<112xi32, #tpu.memory_space<hbm>>
        %dma_start3A_50 = tpu.memref_slice %arg3[%multiple_of3A_44] : memref<25088xi32, #tpu.memory_space<hbm>> -> memref<112xi32, #tpu.memory_space<hbm>>
        tpu.enqueue_dma source(%dma_start3A_50 : memref<112xi32, #tpu.memory_space<hbm>>) target(%arg5 : memref<112xi32, #tpu.memory_space<vmem>>) target_semaphore(%run_scoped3A : memref<!tpu.dma_semaphore, #tpu.memory_space<semaphore_mem>>)
        %dma_wait3A_51 = tpu.memref_slice %arg3[%multiple_of3A_44] : memref<25088xi32, #tpu.memory_space<hbm>> -> memref<112xi32, #tpu.memory_space<hbm>>
        %dma_wait3A_52 = tpu.memref_slice %arg3[%multiple_of3A_44] : memref<25088xi32, #tpu.memory_space<hbm>> -> memref<112xi32, #tpu.memory_space<hbm>>
        tpu.wait_dma2 semaphore(%run_scoped3A : memref<!tpu.dma_semaphore, #tpu.memory_space<semaphore_mem>>) src(%dma_wait3A_52 : memref<112xi32, #tpu.memory_space<hbm>>) dst(%arg5 : memref<112xi32, #tpu.memory_space<vmem>>)
        tpu.yield
      }) : () -> ()
      %dma_start3A = arith.constant 0 : i32
      %dma_start3A_45 = arith.constant 0 : i32
      %dma_start3A_46 = tpu.memref_slice %arg2[%dma_start3A, %dma_start3A_45] : memref<784x256xi32, #tpu.memory_space<hbm>> -> memref<784x256xi32, #tpu.memory_space<hbm>>
      tpu.enqueue_indirect_dma source(%dma_start3A_46 : memref<784x256xi32, #tpu.memory_space<hbm>>) target(%arg6 : memref<112x256xi32, #tpu.memory_space<vmem>>) offsets(%arg5 : memref<112xi32, #tpu.memory_space<vmem>>) semaphore(%arg7 : memref<!tpu.dma_semaphore, #tpu.memory_space<semaphore_mem>>)
      %dma_wait3A = arith.constant 0 : i32
      %dma_wait3A_47 = arith.constant 0 : i32
      %dma_wait3A_48 = tpu.memref_slice %arg2[%dma_wait3A, %dma_wait3A_47] : memref<784x256xi32, #tpu.memory_space<hbm>> -> memref<784x256xi32, #tpu.memory_space<hbm>>
      tpu.wait_indirect_dma semaphore(%arg7 : memref<!tpu.dma_semaphore, #tpu.memory_space<semaphore_mem>>) src(%dma_wait3A_48 : memref<784x256xi32, #tpu.memory_space<hbm>>) dst(%arg6 : memref<112x256xi32, #tpu.memory_space<vmem>>)
      "tpu.region"() ({
        %run_scoped3A = tpu.sem_alloc : memref<!tpu.dma_semaphore, #tpu.memory_space<semaphore_mem>>
        %dma_start3A_49 = arith.constant 0 : i32
        %dma_start3A_50 = tpu.memref_slice %arg4[%select_n3A, %multiple_of3A, %dma_start3A_49] : memref<32x784x256xi32, #tpu.memory_space<hbm>> -> memref<1x112x256xi32, #tpu.memory_space<hbm>>
        %dma_start3A_51 = tpu.memref_squeeze %dma_start3A_50 : memref<1x112x256xi32, #tpu.memory_space<hbm>> -> memref<112x256xi32, #tpu.memory_space<hbm>>
        %dma_start3A_52 = arith.constant 0 : i32
        %dma_start3A_53 = tpu.memref_slice %arg4[%select_n3A, %multiple_of3A, %dma_start3A_52] : memref<32x784x256xi32, #tpu.memory_space<hbm>> -> memref<1x112x256xi32, #tpu.memory_space<hbm>>
        %dma_start3A_54 = tpu.memref_squeeze %dma_start3A_53 : memref<1x112x256xi32, #tpu.memory_space<hbm>> -> memref<112x256xi32, #tpu.memory_space<hbm>>
        tpu.enqueue_dma source(%arg6 : memref<112x256xi32, #tpu.memory_space<vmem>>) target(%dma_start3A_54 : memref<112x256xi32, #tpu.memory_space<hbm>>) target_semaphore(%run_scoped3A : memref<!tpu.dma_semaphore, #tpu.memory_space<semaphore_mem>>)
        %dma_wait3A_55 = arith.constant 0 : i32
        %dma_wait3A_56 = tpu.memref_slice %arg4[%select_n3A, %multiple_of3A, %dma_wait3A_55] : memref<32x784x256xi32, #tpu.memory_space<hbm>> -> memref<1x112x256xi32, #tpu.memory_space<hbm>>
        %dma_wait3A_57 = tpu.memref_squeeze %dma_wait3A_56 : memref<1x112x256xi32, #tpu.memory_space<hbm>> -> memref<112x256xi32, #tpu.memory_space<hbm>>
        %dma_wait3A_58 = arith.constant 0 : i32
        %dma_wait3A_59 = tpu.memref_slice %arg4[%select_n3A, %multiple_of3A, %dma_wait3A_58] : memref<32x784x256xi32, #tpu.memory_space<hbm>> -> memref<1x112x256xi32, #tpu.memory_space<hbm>>
        %dma_wait3A_60 = tpu.memref_squeeze %dma_wait3A_59 : memref<1x112x256xi32, #tpu.memory_space<hbm>> -> memref<112x256xi32, #tpu.memory_space<hbm>>
        tpu.wait_dma2 semaphore(%run_scoped3A : memref<!tpu.dma_semaphore, #tpu.memory_space<semaphore_mem>>) src(%arg6 : memref<112x256xi32, #tpu.memory_space<vmem>>) dst(%dma_wait3A_60 : memref<112x256xi32, #tpu.memory_space<hbm>>)
        tpu.yield
      }) : () -> ()
    }
    %scan3A_7 = arith.constant 7 : i32
    return
  }
}

#map = affine_map<(d0, d1) -> (0, 0)>
#map1 = affine_map<(d0, d1) -> (0)>
#map2 = affine_map<(d0, d1) -> (0, 0, 0)>
module attributes {stable_mosaic.version = 14 : i64} {
  func.func @gather_kernel(%arg0: i32, %arg1: i32, %arg2: memref<784x256xi32, #tpu.memory_space<hbm>>, %arg3: memref<25088xi32, #tpu.memory_space<hbm>>, %arg4: memref<32x784x256xi32, #tpu.memory_space<hbm>>, %arg5: memref<112xi32, #tpu.memory_space<vmem>>, %arg6: memref<112x256xi32, #tpu.memory_space<vmem>>, %arg7: memref<!tpu.dma_semaphore, #tpu.memory_space<semaphore_mem>>) attributes {dimension_semantics = [#tpu.dimension_semantics<core_parallel>, #tpu.dimension_semantics<subcore_parallel>], iteration_bounds = array<i64: 2, 16>, scalar_prefetch = 0 : i64, scratch_operands = 3 : i64, tpu.core_type = #tpu.core_type<sc_vector_subcore>, window_params = [{transform_indices = #map}, {transform_indices = #map1}, {transform_indices = #map2}]} {
    %mul3A = arith.constant 2 : i32
    %mul3A_0 = arith.muli %arg1, %mul3A : i32
    %add3A = arith.addi %mul3A_0, %arg0 : i32
    %mul3A_1 = arith.constant 7 : i32
    %mul3A_2 = arith.muli %add3A, %mul3A_1 : i32
    %scan3A = arith.constant 0 : i32
    %scan3A_3 = arith.constant 0 : i32
    %scan3A_4 = arith.constant 7 : i32
    %scan3A_5 = arith.addi %scan3A_3, %scan3A_4 : i32
    %scan3A_6 = arith.constant 1 : i32
    scf.for %scan3A_8 = %scan3A_3 to %scan3A_5 step %scan3A_6  : i32 {
      %add3A_9 = arith.addi %mul3A_2, %scan3A_8 : i32
      %jit3A = arith.constant 7 : i32
      %div3A = arith.divsi %add3A_9, %jit3A : i32
      %sign3A = arith.constant 0 : i32
      %sign3A_10 = arith.cmpi sgt, %add3A_9, %sign3A : i32
      %sign3A_11 = arith.extui %sign3A_10 : i1 to i32
      %sign3A_12 = arith.constant 0 : i32
      %sign3A_13 = arith.cmpi slt, %add3A_9, %sign3A_12 : i32
      %sign3A_14 = arith.extui %sign3A_13 : i1 to i32
      %sign3A_15 = arith.subi %sign3A_11, %sign3A_14 : i32
      %sign3A_16 = arith.constant 0 : i32
      %sign3A_17 = arith.cmpi sgt, %jit3A, %sign3A_16 : i32
      %sign3A_18 = arith.extui %sign3A_17 : i1 to i32
      %sign3A_19 = arith.constant 0 : i32
      %sign3A_20 = arith.cmpi slt, %jit3A, %sign3A_19 : i32
      %sign3A_21 = arith.extui %sign3A_20 : i1 to i32
      %sign3A_22 = arith.subi %sign3A_18, %sign3A_21 : i32
      %ne3A = arith.cmpi ne, %sign3A_15, %sign3A_22 : i32
      %rem3A = arith.remsi %add3A_9, %jit3A : i32
      %ne3A_23 = arith.constant 0 : i32
      %ne3A_24 = arith.cmpi ne, %rem3A, %ne3A_23 : i32
      %and3A = arith.andi %ne3A, %ne3A_24 : i1
      %sub3A = arith.constant 1 : i32
      %sub3A_25 = arith.subi %div3A, %sub3A : i32
      %select_n3A = arith.select %and3A, %sub3A_25, %div3A : i32
      %jit3A_26 = arith.constant 7 : i32
      %eq3A = arith.constant 0 : i32
      %eq3A_27 = arith.cmpi eq, %jit3A_26, %eq3A : i32
      %jit3A_28 = arith.constant 1 : i32
      %select_n3A_29 = arith.select %eq3A_27, %jit3A_28, %jit3A_26 : i32
      %rem3A_30 = arith.remsi %add3A_9, %select_n3A_29 : i32
      %ne3A_31 = arith.constant 0 : i32
      %ne3A_32 = arith.cmpi ne, %rem3A_30, %ne3A_31 : i32
      %lt3A = arith.constant 0 : i32
      %lt3A_33 = arith.cmpi slt, %rem3A_30, %lt3A : i32
      %lt3A_34 = arith.constant 0 : i32
      %lt3A_35 = arith.cmpi slt, %select_n3A_29, %lt3A_34 : i32
      %ne3A_36 = arith.xori %lt3A_33, %lt3A_35 : i1
      %and3A_37 = arith.andi %ne3A_36, %ne3A_32 : i1
      %add3A_38 = arith.addi %rem3A_30, %select_n3A_29 : i32
      %select_n3A_39 = arith.select %and3A_37, %add3A_38, %rem3A_30 : i32
      %mul3A_40 = arith.constant 112 : i32
      %mul3A_41 = arith.muli %select_n3A_39, %mul3A_40 : i32
      %multiple_of3A = tpu.assume_multiple %mul3A_41, 8 : i32
      %mul3A_42 = arith.constant 112 : i32
      %mul3A_43 = arith.muli %add3A_9, %mul3A_42 : i32
      %multiple_of3A_44 = tpu.assume_multiple %mul3A_43, 8 : i32
      "tpu.region"() ({
        %run_scoped3A = tpu.sem_alloc : memref<!tpu.dma_semaphore, #tpu.memory_space<semaphore_mem>>
        %dma_start3A_49 = tpu.memref_slice %arg3[%multiple_of3A_44] : memref<25088xi32, #tpu.memory_space<hbm>> -> memref<112xi32, #tpu.memory_space<hbm>>
        %dma_start3A_50 = tpu.memref_slice %arg3[%multiple_of3A_44] : memref<25088xi32, #tpu.memory_space<hbm>> -> memref<112xi32, #tpu.memory_space<hbm>>
        tpu.enqueue_dma source(%dma_start3A_50 : memref<112xi32, #tpu.memory_space<hbm>>) target(%arg5 : memref<112xi32, #tpu.memory_space<vmem>>) target_semaphore(%run_scoped3A : memref<!tpu.dma_semaphore, #tpu.memory_space<semaphore_mem>>)
        %dma_wait3A_51 = tpu.memref_slice %arg3[%multiple_of3A_44] : memref<25088xi32, #tpu.memory_space<hbm>> -> memref<112xi32, #tpu.memory_space<hbm>>
        %dma_wait3A_52 = tpu.memref_slice %arg3[%multiple_of3A_44] : memref<25088xi32, #tpu.memory_space<hbm>> -> memref<112xi32, #tpu.memory_space<hbm>>
        tpu.wait_dma2 semaphore(%run_scoped3A : memref<!tpu.dma_semaphore, #tpu.memory_space<semaphore_mem>>) src(%dma_wait3A_52 : memref<112xi32, #tpu.memory_space<hbm>>) dst(%arg5 : memref<112xi32, #tpu.memory_space<vmem>>)
        tpu.yield
      }) : () -> ()
      %dma_start3A = arith.constant 0 : i32
      %dma_start3A_45 = arith.constant 0 : i32
      %dma_start3A_46 = tpu.memref_slice %arg2[%dma_start3A, %dma_start3A_45] : memref<784x256xi32, #tpu.memory_space<hbm>> -> memref<784x256xi32, #tpu.memory_space<hbm>>
      tpu.enqueue_indirect_dma source(%dma_start3A_46 : memref<784x256xi32, #tpu.memory_space<hbm>>) target(%arg6 : memref<112x256xi32, #tpu.memory_space<vmem>>) offsets(%arg5 : memref<112xi32, #tpu.memory_space<vmem>>) semaphore(%arg7 : memref<!tpu.dma_semaphore, #tpu.memory_space<semaphore_mem>>)
      %dma_wait3A = arith.constant 0 : i32
      %dma_wait3A_47 = arith.constant 0 : i32
      %dma_wait3A_48 = tpu.memref_slice %arg2[%dma_wait3A, %dma_wait3A_47] : memref<784x256xi32, #tpu.memory_space<hbm>> -> memref<784x256xi32, #tpu.memory_space<hbm>>
      tpu.wait_indirect_dma semaphore(%arg7 : memref<!tpu.dma_semaphore, #tpu.memory_space<semaphore_mem>>) src(%dma_wait3A_48 : memref<784x256xi32, #tpu.memory_space<hbm>>) dst(%arg6 : memref<112x256xi32, #tpu.memory_space<vmem>>)
      "tpu.region"() ({
        %run_scoped3A = tpu.sem_alloc : memref<!tpu.dma_semaphore, #tpu.memory_space<semaphore_mem>>
        %dma_start3A_49 = arith.constant 0 : i32
        %dma_start3A_50 = tpu.memref_slice %arg4[%select_n3A, %multiple_of3A, %dma_start3A_49] : memref<32x784x256xi32, #tpu.memory_space<hbm>> -> memref<1x112x256xi32, #tpu.memory_space<hbm>>
        %dma_start3A_51 = tpu.memref_squeeze %dma_start3A_50 : memref<1x112x256xi32, #tpu.memory_space<hbm>> -> memref<112x256xi32, #tpu.memory_space<hbm>>
        %dma_start3A_52 = arith.constant 0 : i32
        %dma_start3A_53 = tpu.memref_slice %arg4[%select_n3A, %multiple_of3A, %dma_start3A_52] : memref<32x784x256xi32, #tpu.memory_space<hbm>> -> memref<1x112x256xi32, #tpu.memory_space<hbm>>
        %dma_start3A_54 = tpu.memref_squeeze %dma_start3A_53 : memref<1x112x256xi32, #tpu.memory_space<hbm>> -> memref<112x256xi32, #tpu.memory_space<hbm>>
        tpu.enqueue_dma source(%arg6 : memref<112x256xi32, #tpu.memory_space<vmem>>) target(%dma_start3A_54 : memref<112x256xi32, #tpu.memory_space<hbm>>) target_semaphore(%run_scoped3A : memref<!tpu.dma_semaphore, #tpu.memory_space<semaphore_mem>>)
        %dma_wait3A_55 = arith.constant 0 : i32
        %dma_wait3A_56 = tpu.memref_slice %arg4[%select_n3A, %multiple_of3A, %dma_wait3A_55] : memref<32x784x256xi32, #tpu.memory_space<hbm>> -> memref<1x112x256xi32, #tpu.memory_space<hbm>>
        %dma_wait3A_57 = tpu.memref_squeeze %dma_wait3A_56 : memref<1x112x256xi32, #tpu.memory_space<hbm>> -> memref<112x256xi32, #tpu.memory_space<hbm>>
        %dma_wait3A_58 = arith.constant 0 : i32
        %dma_wait3A_59 = tpu.memref_slice %arg4[%select_n3A, %multiple_of3A, %dma_wait3A_58] : memref<32x784x256xi32, #tpu.memory_space<hbm>> -> memref<1x112x256xi32, #tpu.memory_space<hbm>>
        %dma_wait3A_60 = tpu.memref_squeeze %dma_wait3A_59 : memref<1x112x256xi32, #tpu.memory_space<hbm>> -> memref<112x256xi32, #tpu.memory_space<hbm>>
        tpu.wait_dma2 semaphore(%run_scoped3A : memref<!tpu.dma_semaphore, #tpu.memory_space<semaphore_mem>>) src(%arg6 : memref<112x256xi32, #tpu.memory_space<vmem>>) dst(%dma_wait3A_60 : memref<112x256xi32, #tpu.memory_space<hbm>>)
        tpu.yield
      }) : () -> ()
    }
    %scan3A_7 = arith.constant 7 : i32
    return
  }
}

#map = affine_map<(d0, d1) -> (0, 0)>
#map1 = affine_map<(d0, d1) -> (0)>
#map2 = affine_map<(d0, d1) -> (0, 0, 0)>
module attributes {stable_mosaic.version = 14 : i64} {
  func.func @gather_kernel(%arg0: i32, %arg1: i32, %arg2: memref<784x256xi32, #tpu.memory_space<hbm>>, %arg3: memref<25088xi32, #tpu.memory_space<hbm>>, %arg4: memref<32x784x256xi32, #tpu.memory_space<hbm>>, %arg5: memref<112xi32, #tpu.memory_space<vmem>>, %arg6: memref<112x256xi32, #tpu.memory_space<vmem>>, %arg7: memref<!tpu.dma_semaphore, #tpu.memory_space<semaphore_mem>>) attributes {dimension_semantics = [#tpu.dimension_semantics<core_parallel>, #tpu.dimension_semantics<subcore_parallel>], iteration_bounds = array<i64: 2, 16>, scalar_prefetch = 0 : i64, scratch_operands = 3 : i64, tpu.core_type = #tpu.core_type<sc_vector_subcore>, window_params = [{transform_indices = #map}, {transform_indices = #map1}, {transform_indices = #map2}]} {
    %mul3A = arith.constant 2 : i32
    %mul3A_0 = arith.muli %arg1, %mul3A : i32
    %add3A = arith.addi %mul3A_0, %arg0 : i32
    %mul3A_1 = arith.constant 7 : i32
    %mul3A_2 = arith.muli %add3A, %mul3A_1 : i32
    %scan3A = arith.constant 0 : i32
    %scan3A_3 = arith.constant 0 : i32
    %scan3A_4 = arith.constant 7 : i32
    %scan3A_5 = arith.addi %scan3A_3, %scan3A_4 : i32
    %scan3A_6 = arith.constant 1 : i32
    scf.for %scan3A_8 = %scan3A_3 to %scan3A_5 step %scan3A_6  : i32 {
      %add3A_9 = arith.addi %mul3A_2, %scan3A_8 : i32
      %jit3A = arith.constant 7 : i32
      %div3A = arith.divsi %add3A_9, %jit3A : i32
      %sign3A = arith.constant 0 : i32
      %sign3A_10 = arith.cmpi sgt, %add3A_9, %sign3A : i32
      %sign3A_11 = arith.extui %sign3A_10 : i1 to i32
      %sign3A_12 = arith.constant 0 : i32
      %sign3A_13 = arith.cmpi slt, %add3A_9, %sign3A_12 : i32
      %sign3A_14 = arith.extui %sign3A_13 : i1 to i32
      %sign3A_15 = arith.subi %sign3A_11, %sign3A_14 : i32
      %sign3A_16 = arith.constant 0 : i32
      %sign3A_17 = arith.cmpi sgt, %jit3A, %sign3A_16 : i32
      %sign3A_18 = arith.extui %sign3A_17 : i1 to i32
      %sign3A_19 = arith.constant 0 : i32
      %sign3A_20 = arith.cmpi slt, %jit3A, %sign3A_19 : i32
      %sign3A_21 = arith.extui %sign3A_20 : i1 to i32
      %sign3A_22 = arith.subi %sign3A_18, %sign3A_21 : i32
      %ne3A = arith.cmpi ne, %sign3A_15, %sign3A_22 : i32
      %rem3A = arith.remsi %add3A_9, %jit3A : i32
      %ne3A_23 = arith.constant 0 : i32
      %ne3A_24 = arith.cmpi ne, %rem3A, %ne3A_23 : i32
      %and3A = arith.andi %ne3A, %ne3A_24 : i1
      %sub3A = arith.constant 1 : i32
      %sub3A_25 = arith.subi %div3A, %sub3A : i32
      %select_n3A = arith.select %and3A, %sub3A_25, %div3A : i32
      %jit3A_26 = arith.constant 7 : i32
      %eq3A = arith.constant 0 : i32
      %eq3A_27 = arith.cmpi eq, %jit3A_26, %eq3A : i32
      %jit3A_28 = arith.constant 1 : i32
      %select_n3A_29 = arith.select %eq3A_27, %jit3A_28, %jit3A_26 : i32
      %rem3A_30 = arith.remsi %add3A_9, %select_n3A_29 : i32
      %ne3A_31 = arith.constant 0 : i32
      %ne3A_32 = arith.cmpi ne, %rem3A_30, %ne3A_31 : i32
      %lt3A = arith.constant 0 : i32
      %lt3A_33 = arith.cmpi slt, %rem3A_30, %lt3A : i32
      %lt3A_34 = arith.constant 0 : i32
      %lt3A_35 = arith.cmpi slt, %select_n3A_29, %lt3A_34 : i32
      %ne3A_36 = arith.xori %lt3A_33, %lt3A_35 : i1
      %and3A_37 = arith.andi %ne3A_36, %ne3A_32 : i1
      %add3A_38 = arith.addi %rem3A_30, %select_n3A_29 : i32
      %select_n3A_39 = arith.select %and3A_37, %add3A_38, %rem3A_30 : i32
      %mul3A_40 = arith.constant 112 : i32
      %mul3A_41 = arith.muli %select_n3A_39, %mul3A_40 : i32
      %multiple_of3A = tpu.assume_multiple %mul3A_41, 8 : i32
      %mul3A_42 = arith.constant 112 : i32
      %mul3A_43 = arith.muli %add3A_9, %mul3A_42 : i32
      %multiple_of3A_44 = tpu.assume_multiple %mul3A_43, 8 : i32
      "tpu.region"() ({
        %run_scoped3A = tpu.sem_alloc : memref<!tpu.dma_semaphore, #tpu.memory_space<semaphore_mem>>
        %dma_start3A_49 = tpu.memref_slice %arg3[%multiple_of3A_44] : memref<25088xi32, #tpu.memory_space<hbm>> -> memref<112xi32, #tpu.memory_space<hbm>>
        %dma_start3A_50 = tpu.memref_slice %arg3[%multiple_of3A_44] : memref<25088xi32, #tpu.memory_space<hbm>> -> memref<112xi32, #tpu.memory_space<hbm>>
        tpu.enqueue_dma source(%dma_start3A_50 : memref<112xi32, #tpu.memory_space<hbm>>) target(%arg5 : memref<112xi32, #tpu.memory_space<vmem>>) target_semaphore(%run_scoped3A : memref<!tpu.dma_semaphore, #tpu.memory_space<semaphore_mem>>)
        %dma_wait3A_51 = tpu.memref_slice %arg3[%multiple_of3A_44] : memref<25088xi32, #tpu.memory_space<hbm>> -> memref<112xi32, #tpu.memory_space<hbm>>
        %dma_wait3A_52 = tpu.memref_slice %arg3[%multiple_of3A_44] : memref<25088xi32, #tpu.memory_space<hbm>> -> memref<112xi32, #tpu.memory_space<hbm>>
        tpu.wait_dma2 semaphore(%run_scoped3A : memref<!tpu.dma_semaphore, #tpu.memory_space<semaphore_mem>>) src(%dma_wait3A_52 : memref<112xi32, #tpu.memory_space<hbm>>) dst(%arg5 : memref<112xi32, #tpu.memory_space<vmem>>)
        tpu.yield
      }) : () -> ()
      %dma_start3A = arith.constant 0 : i32
      %dma_start3A_45 = arith.constant 0 : i32
      %dma_start3A_46 = tpu.memref_slice %arg2[%dma_start3A, %dma_start3A_45] : memref<784x256xi32, #tpu.memory_space<hbm>> -> memref<784x256xi32, #tpu.memory_space<hbm>>
      tpu.enqueue_indirect_dma source(%dma_start3A_46 : memref<784x256xi32, #tpu.memory_space<hbm>>) target(%arg6 : memref<112x256xi32, #tpu.memory_space<vmem>>) offsets(%arg5 : memref<112xi32, #tpu.memory_space<vmem>>) semaphore(%arg7 : memref<!tpu.dma_semaphore, #tpu.memory_space<semaphore_mem>>)
      %dma_wait3A = arith.constant 0 : i32
      %dma_wait3A_47 = arith.constant 0 : i32
      %dma_wait3A_48 = tpu.memref_slice %arg2[%dma_wait3A, %dma_wait3A_47] : memref<784x256xi32, #tpu.memory_space<hbm>> -> memref<784x256xi32, #tpu.memory_space<hbm>>
      tpu.wait_indirect_dma semaphore(%arg7 : memref<!tpu.dma_semaphore, #tpu.memory_space<semaphore_mem>>) src(%dma_wait3A_48 : memref<784x256xi32, #tpu.memory_space<hbm>>) dst(%arg6 : memref<112x256xi32, #tpu.memory_space<vmem>>)
      "tpu.region"() ({
        %run_scoped3A = tpu.sem_alloc : memref<!tpu.dma_semaphore, #tpu.memory_space<semaphore_mem>>
        %dma_start3A_49 = arith.constant 0 : i32
        %dma_start3A_50 = tpu.memref_slice %arg4[%select_n3A, %multiple_of3A, %dma_start3A_49] : memref<32x784x256xi32, #tpu.memory_space<hbm>> -> memref<1x112x256xi32, #tpu.memory_space<hbm>>
        %dma_start3A_51 = tpu.memref_squeeze %dma_start3A_50 : memref<1x112x256xi32, #tpu.memory_space<hbm>> -> memref<112x256xi32, #tpu.memory_space<hbm>>
        %dma_start3A_52 = arith.constant 0 : i32
        %dma_start3A_53 = tpu.memref_slice %arg4[%select_n3A, %multiple_of3A, %dma_start3A_52] : memref<32x784x256xi32, #tpu.memory_space<hbm>> -> memref<1x112x256xi32, #tpu.memory_space<hbm>>
        %dma_start3A_54 = tpu.memref_squeeze %dma_start3A_53 : memref<1x112x256xi32, #tpu.memory_space<hbm>> -> memref<112x256xi32, #tpu.memory_space<hbm>>
        tpu.enqueue_dma source(%arg6 : memref<112x256xi32, #tpu.memory_space<vmem>>) target(%dma_start3A_54 : memref<112x256xi32, #tpu.memory_space<hbm>>) target_semaphore(%run_scoped3A : memref<!tpu.dma_semaphore, #tpu.memory_space<semaphore_mem>>)
        %dma_wait3A_55 = arith.constant 0 : i32
        %dma_wait3A_56 = tpu.memref_slice %arg4[%select_n3A, %multiple_of3A, %dma_wait3A_55] : memref<32x784x256xi32, #tpu.memory_space<hbm>> -> memref<1x112x256xi32, #tpu.memory_space<hbm>>
        %dma_wait3A_57 = tpu.memref_squeeze %dma_wait3A_56 : memref<1x112x256xi32, #tpu.memory_space<hbm>> -> memref<112x256xi32, #tpu.memory_space<hbm>>
        %dma_wait3A_58 = arith.constant 0 : i32
        %dma_wait3A_59 = tpu.memref_slice %arg4[%select_n3A, %multiple_of3A, %dma_wait3A_58] : memref<32x784x256xi32, #tpu.memory_space<hbm>> -> memref<1x112x256xi32, #tpu.memory_space<hbm>>
        %dma_wait3A_60 = tpu.memref_squeeze %dma_wait3A_59 : memref<1x112x256xi32, #tpu.memory_space<hbm>> -> memref<112x256xi32, #tpu.memory_space<hbm>>
        tpu.wait_dma2 semaphore(%run_scoped3A : memref<!tpu.dma_semaphore, #tpu.memory_space<semaphore_mem>>) src(%arg6 : memref<112x256xi32, #tpu.memory_space<vmem>>) dst(%dma_wait3A_60 : memref<112x256xi32, #tpu.memory_space<hbm>>)
        tpu.yield
      }) : () -> ()
    }
    %scan3A_7 = arith.constant 7 : i32
    return
  }
}

#map = affine_map<(d0, d1) -> (0, 0)>
#map1 = affine_map<(d0, d1) -> (0)>
#map2 = affine_map<(d0, d1) -> (0, 0, 0)>
module attributes {stable_mosaic.version = 14 : i64} {
  func.func @gather_kernel(%arg0: i32, %arg1: i32, %arg2: memref<784x256xi32, #tpu.memory_space<hbm>>, %arg3: memref<25088xi32, #tpu.memory_space<hbm>>, %arg4: memref<32x784x256xi32, #tpu.memory_space<hbm>>, %arg5: memref<112xi32, #tpu.memory_space<vmem>>, %arg6: memref<112x256xi32, #tpu.memory_space<vmem>>, %arg7: memref<!tpu.dma_semaphore, #tpu.memory_space<semaphore_mem>>) attributes {dimension_semantics = [#tpu.dimension_semantics<core_parallel>, #tpu.dimension_semantics<subcore_parallel>], iteration_bounds = array<i64: 2, 16>, scalar_prefetch = 0 : i64, scratch_operands = 3 : i64, tpu.core_type = #tpu.core_type<sc_vector_subcore>, window_params = [{transform_indices = #map}, {transform_indices = #map1}, {transform_indices = #map2}]} {
    %mul3A = arith.constant 2 : i32
    %mul3A_0 = arith.muli %arg1, %mul3A : i32
    %add3A = arith.addi %mul3A_0, %arg0 : i32
    %mul3A_1 = arith.constant 7 : i32
    %mul3A_2 = arith.muli %add3A, %mul3A_1 : i32
    %scan3A = arith.constant 0 : i32
    %scan3A_3 = arith.constant 0 : i32
    %scan3A_4 = arith.constant 7 : i32
    %scan3A_5 = arith.addi %scan3A_3, %scan3A_4 : i32
    %scan3A_6 = arith.constant 1 : i32
    scf.for %scan3A_8 = %scan3A_3 to %scan3A_5 step %scan3A_6  : i32 {
      %add3A_9 = arith.addi %mul3A_2, %scan3A_8 : i32
      %jit3A = arith.constant 7 : i32
      %div3A = arith.divsi %add3A_9, %jit3A : i32
      %sign3A = arith.constant 0 : i32
      %sign3A_10 = arith.cmpi sgt, %add3A_9, %sign3A : i32
      %sign3A_11 = arith.extui %sign3A_10 : i1 to i32
      %sign3A_12 = arith.constant 0 : i32
      %sign3A_13 = arith.cmpi slt, %add3A_9, %sign3A_12 : i32
      %sign3A_14 = arith.extui %sign3A_13 : i1 to i32
      %sign3A_15 = arith.subi %sign3A_11, %sign3A_14 : i32
      %sign3A_16 = arith.constant 0 : i32
      %sign3A_17 = arith.cmpi sgt, %jit3A, %sign3A_16 : i32
      %sign3A_18 = arith.extui %sign3A_17 : i1 to i32
      %sign3A_19 = arith.constant 0 : i32
      %sign3A_20 = arith.cmpi slt, %jit3A, %sign3A_19 : i32
      %sign3A_21 = arith.extui %sign3A_20 : i1 to i32
      %sign3A_22 = arith.subi %sign3A_18, %sign3A_21 : i32
      %ne3A = arith.cmpi ne, %sign3A_15, %sign3A_22 : i32
      %rem3A = arith.remsi %add3A_9, %jit3A : i32
      %ne3A_23 = arith.constant 0 : i32
      %ne3A_24 = arith.cmpi ne, %rem3A, %ne3A_23 : i32
      %and3A = arith.andi %ne3A, %ne3A_24 : i1
      %sub3A = arith.constant 1 : i32
      %sub3A_25 = arith.subi %div3A, %sub3A : i32
      %select_n3A = arith.select %and3A, %sub3A_25, %div3A : i32
      %jit3A_26 = arith.constant 7 : i32
      %eq3A = arith.constant 0 : i32
      %eq3A_27 = arith.cmpi eq, %jit3A_26, %eq3A : i32
      %jit3A_28 = arith.constant 1 : i32
      %select_n3A_29 = arith.select %eq3A_27, %jit3A_28, %jit3A_26 : i32
      %rem3A_30 = arith.remsi %add3A_9, %select_n3A_29 : i32
      %ne3A_31 = arith.constant 0 : i32
      %ne3A_32 = arith.cmpi ne, %rem3A_30, %ne3A_31 : i32
      %lt3A = arith.constant 0 : i32
      %lt3A_33 = arith.cmpi slt, %rem3A_30, %lt3A : i32
      %lt3A_34 = arith.constant 0 : i32
      %lt3A_35 = arith.cmpi slt, %select_n3A_29, %lt3A_34 : i32
      %ne3A_36 = arith.xori %lt3A_33, %lt3A_35 : i1
      %and3A_37 = arith.andi %ne3A_36, %ne3A_32 : i1
      %add3A_38 = arith.addi %rem3A_30, %select_n3A_29 : i32
      %select_n3A_39 = arith.select %and3A_37, %add3A_38, %rem3A_30 : i32
      %mul3A_40 = arith.constant 112 : i32
      %mul3A_41 = arith.muli %select_n3A_39, %mul3A_40 : i32
      %multiple_of3A = tpu.assume_multiple %mul3A_41, 8 : i32
      %mul3A_42 = arith.constant 112 : i32
      %mul3A_43 = arith.muli %add3A_9, %mul3A_42 : i32
      %multiple_of3A_44 = tpu.assume_multiple %mul3A_43, 8 : i32
      "tpu.region"() ({
        %run_scoped3A = tpu.sem_alloc : memref<!tpu.dma_semaphore, #tpu.memory_space<semaphore_mem>>
        %dma_start3A_49 = tpu.memref_slice %arg3[%multiple_of3A_44] : memref<25088xi32, #tpu.memory_space<hbm>> -> memref<112xi32, #tpu.memory_space<hbm>>
        %dma_start3A_50 = tpu.memref_slice %arg3[%multiple_of3A_44] : memref<25088xi32, #tpu.memory_space<hbm>> -> memref<112xi32, #tpu.memory_space<hbm>>
        tpu.enqueue_dma source(%dma_start3A_50 : memref<112xi32, #tpu.memory_space<hbm>>) target(%arg5 : memref<112xi32, #tpu.memory_space<vmem>>) target_semaphore(%run_scoped3A : memref<!tpu.dma_semaphore, #tpu.memory_space<semaphore_mem>>)
        %dma_wait3A_51 = tpu.memref_slice %arg3[%multiple_of3A_44] : memref<25088xi32, #tpu.memory_space<hbm>> -> memref<112xi32, #tpu.memory_space<hbm>>
        %dma_wait3A_52 = tpu.memref_slice %arg3[%multiple_of3A_44] : memref<25088xi32, #tpu.memory_space<hbm>> -> memref<112xi32, #tpu.memory_space<hbm>>
        tpu.wait_dma2 semaphore(%run_scoped3A : memref<!tpu.dma_semaphore, #tpu.memory_space<semaphore_mem>>) src(%dma_wait3A_52 : memref<112xi32, #tpu.memory_space<hbm>>) dst(%arg5 : memref<112xi32, #tpu.memory_space<vmem>>)
        tpu.yield
      }) : () -> ()
      %dma_start3A = arith.constant 0 : i32
      %dma_start3A_45 = arith.constant 0 : i32
      %dma_start3A_46 = tpu.memref_slice %arg2[%dma_start3A, %dma_start3A_45] : memref<784x256xi32, #tpu.memory_space<hbm>> -> memref<784x256xi32, #tpu.memory_space<hbm>>
      tpu.enqueue_indirect_dma source(%dma_start3A_46 : memref<784x256xi32, #tpu.memory_space<hbm>>) target(%arg6 : memref<112x256xi32, #tpu.memory_space<vmem>>) offsets(%arg5 : memref<112xi32, #tpu.memory_space<vmem>>) semaphore(%arg7 : memref<!tpu.dma_semaphore, #tpu.memory_space<semaphore_mem>>)
      %dma_wait3A = arith.constant 0 : i32
      %dma_wait3A_47 = arith.constant 0 : i32
      %dma_wait3A_48 = tpu.memref_slice %arg2[%dma_wait3A, %dma_wait3A_47] : memref<784x256xi32, #tpu.memory_space<hbm>> -> memref<784x256xi32, #tpu.memory_space<hbm>>
      tpu.wait_indirect_dma semaphore(%arg7 : memref<!tpu.dma_semaphore, #tpu.memory_space<semaphore_mem>>) src(%dma_wait3A_48 : memref<784x256xi32, #tpu.memory_space<hbm>>) dst(%arg6 : memref<112x256xi32, #tpu.memory_space<vmem>>)
      "tpu.region"() ({
        %run_scoped3A = tpu.sem_alloc : memref<!tpu.dma_semaphore, #tpu.memory_space<semaphore_mem>>
        %dma_start3A_49 = arith.constant 0 : i32
        %dma_start3A_50 = tpu.memref_slice %arg4[%select_n3A, %multiple_of3A, %dma_start3A_49] : memref<32x784x256xi32, #tpu.memory_space<hbm>> -> memref<1x112x256xi32, #tpu.memory_space<hbm>>
        %dma_start3A_51 = tpu.memref_squeeze %dma_start3A_50 : memref<1x112x256xi32, #tpu.memory_space<hbm>> -> memref<112x256xi32, #tpu.memory_space<hbm>>
        %dma_start3A_52 = arith.constant 0 : i32
        %dma_start3A_53 = tpu.memref_slice %arg4[%select_n3A, %multiple_of3A, %dma_start3A_52] : memref<32x784x256xi32, #tpu.memory_space<hbm>> -> memref<1x112x256xi32, #tpu.memory_space<hbm>>
        %dma_start3A_54 = tpu.memref_squeeze %dma_start3A_53 : memref<1x112x256xi32, #tpu.memory_space<hbm>> -> memref<112x256xi32, #tpu.memory_space<hbm>>
        tpu.enqueue_dma source(%arg6 : memref<112x256xi32, #tpu.memory_space<vmem>>) target(%dma_start3A_54 : memref<112x256xi32, #tpu.memory_space<hbm>>) target_semaphore(%run_scoped3A : memref<!tpu.dma_semaphore, #tpu.memory_space<semaphore_mem>>)
        %dma_wait3A_55 = arith.constant 0 : i32
        %dma_wait3A_56 = tpu.memref_slice %arg4[%select_n3A, %multiple_of3A, %dma_wait3A_55] : memref<32x784x256xi32, #tpu.memory_space<hbm>> -> memref<1x112x256xi32, #tpu.memory_space<hbm>>
        %dma_wait3A_57 = tpu.memref_squeeze %dma_wait3A_56 : memref<1x112x256xi32, #tpu.memory_space<hbm>> -> memref<112x256xi32, #tpu.memory_space<hbm>>
        %dma_wait3A_58 = arith.constant 0 : i32
        %dma_wait3A_59 = tpu.memref_slice %arg4[%select_n3A, %multiple_of3A, %dma_wait3A_58] : memref<32x784x256xi32, #tpu.memory_space<hbm>> -> memref<1x112x256xi32, #tpu.memory_space<hbm>>
        %dma_wait3A_60 = tpu.memref_squeeze %dma_wait3A_59 : memref<1x112x256xi32, #tpu.memory_space<hbm>> -> memref<112x256xi32, #tpu.memory_space<hbm>>
        tpu.wait_dma2 semaphore(%run_scoped3A : memref<!tpu.dma_semaphore, #tpu.memory_space<semaphore_mem>>) src(%arg6 : memref<112x256xi32, #tpu.memory_space<vmem>>) dst(%dma_wait3A_60 : memref<112x256xi32, #tpu.memory_space<hbm>>)
        tpu.yield
      }) : () -> ()
    }
    %scan3A_7 = arith.constant 7 : i32
    return
  }
}

module attributes {stable_mosaic.version = 14 : i64} {
  func.func @_dense_body(%arg0: i32, %arg1: memref<4x784x256xi32, #tpu.memory_space<vmem>>, %arg2: memref<4x2x784xf32, #tpu.memory_space<vmem>>, %arg3: memref<4x1x512xf32, #tpu.memory_space<vmem>>) attributes {dimension_semantics = [#tpu.dimension_semantics<arbitrary>], iteration_bounds = array<i64: 8>, scalar_prefetch = 0 : i64, scratch_operands = 0 : i64, tpu.core_type = #tpu.core_type<tc>, window_params = [{transform_indices = @transform_0, window_bounds = array<i64: 4, 784, 256>}, {transform_indices = @transform_1, window_bounds = array<i64: 4, 2, 784>}, {transform_indices = @transform_2, window_bounds = array<i64: 4, 1, 512>}]} {
    %iota3A = tpu.iota {dimensions = array<i32: 0>} : vector<784x256xi32>
    %broadcast_in_dim3A = arith.constant 1.000000e+00 : f32
    %broadcast_in_dim3A_0 = vector.broadcast %broadcast_in_dim3A : f32 to vector<1x256xf32>
    %get3A = arith.constant 0 : index
    %get3A_1 = arith.constant 0 : index
    %get3A_2 = arith.constant 0 : index
    %get3A_3 = vector.load %arg1[%get3A, %get3A_1, %get3A_2] : memref<4x784x256xi32, #tpu.memory_space<vmem>>, vector<1x784x256xi32>
    %get3A_4 = vector.shape_cast %get3A_3 : vector<1x784x256xi32> to vector<784x256xi32>
    %gt3A = arith.constant 0 : i32
    %gt3A_5 = vector.broadcast %gt3A : i32 to vector<784x256xi32>
    %gt3A_6 = arith.cmpi sgt, %iota3A, %gt3A_5 : vector<784x256xi32>
    %roll3A = arith.constant 1 : i32
    %roll3A_7 = tpu.dynamic_rotate %get3A_4 by %roll3A dim 0 : vector<784x256xi32>, i32 -> vector<784x256xi32>
    %jit3A = arith.constant 0 : i32
    %broadcast_in_dim3A_8 = vector.broadcast %jit3A : i32 to vector<784x256xi32>
    %select_n3A = arith.select %gt3A_6, %roll3A_7, %broadcast_in_dim3A_8 : vector<784x256xi1>, vector<784x256xi32>
    %shift_left3A = arith.constant 16 : i32
    %shift_left3A_9 = vector.broadcast %shift_left3A : i32 to vector<784x256xi32>
    %shift_left3A_10 = arith.shli %get3A_4, %shift_left3A_9 : vector<784x256xi32>
    %bitcast_convert_type3A = tpu.bitcast %shift_left3A_10 : vector<784x256xi32> -> vector<784x256xf32>
    %and3A = arith.constant -65536 : i32
    %and3A_11 = vector.broadcast %and3A : i32 to vector<784x256xi32>
    %and3A_12 = arith.andi %get3A_4, %and3A_11 : vector<784x256xi32>
    %bitcast_convert_type3A_13 = tpu.bitcast %and3A_12 : vector<784x256xi32> -> vector<784x256xf32>
    %shift_left3A_14 = arith.constant 16 : i32
    %shift_left3A_15 = vector.broadcast %shift_left3A_14 : i32 to vector<784x256xi32>
    %shift_left3A_16 = arith.shli %select_n3A, %shift_left3A_15 : vector<784x256xi32>
    %bitcast_convert_type3A_17 = tpu.bitcast %shift_left3A_16 : vector<784x256xi32> -> vector<784x256xf32>
    %and3A_18 = arith.constant -65536 : i32
    %and3A_19 = vector.broadcast %and3A_18 : i32 to vector<784x256xi32>
    %and3A_20 = arith.andi %select_n3A, %and3A_19 : vector<784x256xi32>
    %bitcast_convert_type3A_21 = tpu.bitcast %and3A_20 : vector<784x256xi32> -> vector<784x256xf32>
    %get3A_22 = arith.constant 0 : index
    %get3A_23 = arith.constant 0 : index
    %get3A_24 = arith.constant 0 : index
    %get3A_25 = vector.load %arg2[%get3A_22, %get3A_23, %get3A_24] : memref<4x2x784xf32, #tpu.memory_space<vmem>>, vector<1x2x784xf32>
    %get3A_26 = vector.shape_cast %get3A_25 : vector<1x2x784xf32> to vector<2x784xf32>
    %slice3A = vector.extract_strided_slice %get3A_26 {offsets = [0, 0], sizes = [1, 784], strides = [1, 1]} : vector<2x784xf32> to vector<1x784xf32>
    %dot_general3A = arith.constant dense<0.000000e+00> : vector<784x256xf32>
    %dot_general3A_27 = tpu.matmul %slice3A, %broadcast_in_dim3A_0, %dot_general3A {dimension_numbers = #tpu.dot_dimension_numbers<[0], [0], [1], [1], [0, 1, 1, 1], [], []>, transpose_lhs_hint = false} : vector<1x784xf32>, vector<1x256xf32>, vector<784x256xf32> -> vector<784x256xf32>
    %slice3A_28 = vector.extract_strided_slice %get3A_26 {offsets = [1, 0], sizes = [1, 784], strides = [1, 1]} : vector<2x784xf32> to vector<1x784xf32>
    %dot_general3A_29 = arith.constant dense<0.000000e+00> : vector<784x256xf32>
    %dot_general3A_30 = tpu.matmul %slice3A_28, %broadcast_in_dim3A_0, %dot_general3A_29 {dimension_numbers = #tpu.dot_dimension_numbers<[0], [0], [1], [1], [0, 1, 1, 1], [], []>, transpose_lhs_hint = false} : vector<1x784xf32>, vector<1x256xf32>, vector<784x256xf32> -> vector<784x256xf32>
    %add3A = arith.addf %bitcast_convert_type3A, %bitcast_convert_type3A_17 : vector<784x256xf32>
    %mul3A = arith.mulf %bitcast_convert_type3A, %dot_general3A_27 : vector<784x256xf32>
    %mul3A_31 = arith.mulf %bitcast_convert_type3A_17, %dot_general3A_30 : vector<784x256xf32>
    %add3A_32 = arith.addf %mul3A, %mul3A_31 : vector<784x256xf32>
    %sub3A = arith.constant 1.000000e+00 : f32
    %sub3A_33 = vector.broadcast %sub3A : f32 to vector<784x256xf32>
    %sub3A_34 = arith.subf %add3A, %sub3A_33 : vector<784x256xf32>
    %mul3A_35 = arith.mulf %dot_general3A_27, %sub3A_34 : vector<784x256xf32>
    %gt3A_36 = arith.cmpf ogt, %add3A_32, %mul3A_35 : vector<784x256xf32>
    %gt3A_37 = arith.constant 1.000000e+00 : f32
    %gt3A_38 = vector.broadcast %gt3A_37 : f32 to vector<784x256xf32>
    %gt3A_39 = arith.cmpf ogt, %add3A, %gt3A_38 : vector<784x256xf32>
    %and3A_40 = arith.andi %gt3A_36, %gt3A_39 : vector<784x256xi1>
    %jit3A_41 = arith.constant 784 : i32
    %broadcast_in_dim3A_42 = vector.broadcast %jit3A_41 : i32 to vector<784x256xi32>
    %select_n3A_43 = arith.select %and3A_40, %iota3A, %broadcast_in_dim3A_42 : vector<784x256xi1>, vector<784x256xi32>
    %reduce_min3A = arith.constant dense<2147483647> : vector<256xi32>
    %reduce_min3A_44 = vector.multi_reduction <minsi>, %select_n3A_43, %reduce_min3A [0] : vector<784x256xi32> to vector<256xi32>
    %broadcast_in_dim3A_45 = vector.shape_cast %reduce_min3A_44 : vector<256xi32> to vector<1x256xi32>
    %eq3A = vector.broadcast %broadcast_in_dim3A_45 : vector<1x256xi32> to vector<784x256xi32>
    %eq3A_46 = arith.cmpi eq, %iota3A, %eq3A : vector<784x256xi32>
    %jit3A_47 = arith.constant 0.000000e+00 : f32
    %broadcast_in_dim3A_48 = vector.broadcast %jit3A_47 : f32 to vector<784x256xf32>
    %select_n3A_49 = arith.select %eq3A_46, %add3A_32, %broadcast_in_dim3A_48 : vector<784x256xi1>, vector<784x256xf32>
    %reduce_sum3A = arith.constant dense<0.000000e+00> : vector<256xf32>
    %reduce_sum3A_50 = vector.multi_reduction <add>, %select_n3A_49, %reduce_sum3A [0] : vector<784x256xf32> to vector<256xf32>
    %broadcast_in_dim3A_51 = vector.shape_cast %reduce_sum3A_50 : vector<256xf32> to vector<1x256xf32>
    %jit3A_52 = arith.constant 0.000000e+00 : f32
    %broadcast_in_dim3A_53 = vector.broadcast %jit3A_52 : f32 to vector<784x256xf32>
    %select_n3A_54 = arith.select %eq3A_46, %sub3A_34, %broadcast_in_dim3A_53 : vector<784x256xi1>, vector<784x256xf32>
    %reduce_sum3A_55 = arith.constant dense<0.000000e+00> : vector<256xf32>
    %reduce_sum3A_56 = vector.multi_reduction <add>, %select_n3A_54, %reduce_sum3A_55 [0] : vector<784x256xf32> to vector<256xf32>
    %broadcast_in_dim3A_57 = vector.shape_cast %reduce_sum3A_56 : vector<256xf32> to vector<1x256xf32>
    %max3A = arith.constant 1.000000e-10 : f32
    %max3A_58 = vector.broadcast %max3A : f32 to vector<1x256xf32>
    %max3A_59 = arith.maximumf %broadcast_in_dim3A_57, %max3A_58 : vector<1x256xf32>
    %eq3A_60 = arith.constant 784 : i32
    %eq3A_61 = vector.broadcast %eq3A_60 : i32 to vector<1x256xi32>
    %eq3A_62 = arith.cmpi eq, %broadcast_in_dim3A_45, %eq3A_61 : vector<1x256xi32>
    %div3A = arith.divf %broadcast_in_dim3A_51, %max3A_59 : vector<1x256xf32>
    %jit3A_63 = arith.constant 1.000000e+10 : f32
    %broadcast_in_dim3A_64 = vector.broadcast %jit3A_63 : f32 to vector<1x256xf32>
    %select_n3A_65 = arith.select %eq3A_62, %broadcast_in_dim3A_64, %div3A : vector<1x256xi1>, vector<1x256xf32>
    %add3A_66 = arith.addf %bitcast_convert_type3A_13, %bitcast_convert_type3A_21 : vector<784x256xf32>
    %mul3A_67 = arith.mulf %bitcast_convert_type3A_13, %dot_general3A_27 : vector<784x256xf32>
    %mul3A_68 = arith.mulf %bitcast_convert_type3A_21, %dot_general3A_30 : vector<784x256xf32>
    %add3A_69 = arith.addf %mul3A_67, %mul3A_68 : vector<784x256xf32>
    %sub3A_70 = arith.constant 1.000000e+00 : f32
    %sub3A_71 = vector.broadcast %sub3A_70 : f32 to vector<784x256xf32>
    %sub3A_72 = arith.subf %add3A_66, %sub3A_71 : vector<784x256xf32>
    %mul3A_73 = arith.mulf %dot_general3A_27, %sub3A_72 : vector<784x256xf32>
    %gt3A_74 = arith.cmpf ogt, %add3A_69, %mul3A_73 : vector<784x256xf32>
    %gt3A_75 = arith.constant 1.000000e+00 : f32
    %gt3A_76 = vector.broadcast %gt3A_75 : f32 to vector<784x256xf32>
    %gt3A_77 = arith.cmpf ogt, %add3A_66, %gt3A_76 : vector<784x256xf32>
    %and3A_78 = arith.andi %gt3A_74, %gt3A_77 : vector<784x256xi1>
    %jit3A_79 = arith.constant 784 : i32
    %broadcast_in_dim3A_80 = vector.broadcast %jit3A_79 : i32 to vector<784x256xi32>
    %select_n3A_81 = arith.select %and3A_78, %iota3A, %broadcast_in_dim3A_80 : vector<784x256xi1>, vector<784x256xi32>
    %reduce_min3A_82 = arith.constant dense<2147483647> : vector<256xi32>
    %reduce_min3A_83 = vector.multi_reduction <minsi>, %select_n3A_81, %reduce_min3A_82 [0] : vector<784x256xi32> to vector<256xi32>
    %broadcast_in_dim3A_84 = vector.shape_cast %reduce_min3A_83 : vector<256xi32> to vector<1x256xi32>
    %eq3A_85 = vector.broadcast %broadcast_in_dim3A_84 : vector<1x256xi32> to vector<784x256xi32>
    %eq3A_86 = arith.cmpi eq, %iota3A, %eq3A_85 : vector<784x256xi32>
    %jit3A_87 = arith.constant 0.000000e+00 : f32
    %broadcast_in_dim3A_88 = vector.broadcast %jit3A_87 : f32 to vector<784x256xf32>
    %select_n3A_89 = arith.select %eq3A_86, %add3A_69, %broadcast_in_dim3A_88 : vector<784x256xi1>, vector<784x256xf32>
    %reduce_sum3A_90 = arith.constant dense<0.000000e+00> : vector<256xf32>
    %reduce_sum3A_91 = vector.multi_reduction <add>, %select_n3A_89, %reduce_sum3A_90 [0] : vector<784x256xf32> to vector<256xf32>
    %broadcast_in_dim3A_92 = vector.shape_cast %reduce_sum3A_91 : vector<256xf32> to vector<1x256xf32>
    %jit3A_93 = arith.constant 0.000000e+00 : f32
    %broadcast_in_dim3A_94 = vector.broadcast %jit3A_93 : f32 to vector<784x256xf32>
    %select_n3A_95 = arith.select %eq3A_86, %sub3A_72, %broadcast_in_dim3A_94 : vector<784x256xi1>, vector<784x256xf32>
    %reduce_sum3A_96 = arith.constant dense<0.000000e+00> : vector<256xf32>
    %reduce_sum3A_97 = vector.multi_reduction <add>, %select_n3A_95, %reduce_sum3A_96 [0] : vector<784x256xf32> to vector<256xf32>
    %broadcast_in_dim3A_98 = vector.shape_cast %reduce_sum3A_97 : vector<256xf32> to vector<1x256xf32>
    %max3A_99 = arith.constant 1.000000e-10 : f32
    %max3A_100 = vector.broadcast %max3A_99 : f32 to vector<1x256xf32>
    %max3A_101 = arith.maximumf %broadcast_in_dim3A_98, %max3A_100 : vector<1x256xf32>
    %eq3A_102 = arith.constant 784 : i32
    %eq3A_103 = vector.broadcast %eq3A_102 : i32 to vector<1x256xi32>
    %eq3A_104 = arith.cmpi eq, %broadcast_in_dim3A_84, %eq3A_103 : vector<1x256xi32>
    %div3A_105 = arith.divf %broadcast_in_dim3A_92, %max3A_101 : vector<1x256xf32>
    %jit3A_106 = arith.constant 1.000000e+10 : f32
    %broadcast_in_dim3A_107 = vector.broadcast %jit3A_106 : f32 to vector<1x256xf32>
    %select_n3A_108 = arith.select %eq3A_104, %broadcast_in_dim3A_107, %div3A_105 : vector<1x256xi1>, vector<1x256xf32>
    %concatenate3A = tpu.concatenate %select_n3A_65, %select_n3A_108 in 1 : vector<1x256xf32>, vector<1x256xf32> -> vector<1x512xf32>
    %swap3A = arith.constant 0 : index
    %swap3A_109 = arith.constant 0 : index
    %swap3A_110 = arith.constant 0 : index
    %swap3A_111 = vector.load %arg3[%swap3A, %swap3A_109, %swap3A_110] : memref<4x1x512xf32, #tpu.memory_space<vmem>>, vector<1x1x512xf32>
    %swap3A_112 = vector.shape_cast %swap3A_111 : vector<1x1x512xf32> to vector<1x512xf32>
    %swap3A_113 = vector.shape_cast %concatenate3A : vector<1x512xf32> to vector<1x1x512xf32>
    tpu.vector_store %arg3[%swap3A, %swap3A_109, %swap3A_110], %swap3A_113 {strides = array<i32>} : memref<4x1x512xf32, #tpu.memory_space<vmem>>, vector<1x1x512xf32>,
    %get3A_114 = arith.constant 1 : index
    %get3A_115 = arith.constant 0 : index
    %get3A_116 = arith.constant 0 : index
    %get3A_117 = vector.load %arg1[%get3A_114, %get3A_115, %get3A_116] : memref<4x784x256xi32, #tpu.memory_space<vmem>>, vector<1x784x256xi32>
    %get3A_118 = vector.shape_cast %get3A_117 : vector<1x784x256xi32> to vector<784x256xi32>
    %gt3A_119 = arith.constant 0 : i32
    %gt3A_120 = vector.broadcast %gt3A_119 : i32 to vector<784x256xi32>
    %gt3A_121 = arith.cmpi sgt, %iota3A, %gt3A_120 : vector<784x256xi32>
    %roll3A_122 = arith.constant 1 : i32
    %roll3A_123 = tpu.dynamic_rotate %get3A_118 by %roll3A_122 dim 0 : vector<784x256xi32>, i32 -> vector<784x256xi32>
    %jit3A_124 = arith.constant 0 : i32
    %broadcast_in_dim3A_125 = vector.broadcast %jit3A_124 : i32 to vector<784x256xi32>
    %select_n3A_126 = arith.select %gt3A_121, %roll3A_123, %broadcast_in_dim3A_125 : vector<784x256xi1>, vector<784x256xi32>
    %shift_left3A_127 = arith.constant 16 : i32
    %shift_left3A_128 = vector.broadcast %shift_left3A_127 : i32 to vector<784x256xi32>
    %shift_left3A_129 = arith.shli %get3A_118, %shift_left3A_128 : vector<784x256xi32>
    %bitcast_convert_type3A_130 = tpu.bitcast %shift_left3A_129 : vector<784x256xi32> -> vector<784x256xf32>
    %and3A_131 = arith.constant -65536 : i32
    %and3A_132 = vector.broadcast %and3A_131 : i32 to vector<784x256xi32>
    %and3A_133 = arith.andi %get3A_118, %and3A_132 : vector<784x256xi32>
    %bitcast_convert_type3A_134 = tpu.bitcast %and3A_133 : vector<784x256xi32> -> vector<784x256xf32>
    %shift_left3A_135 = arith.constant 16 : i32
    %shift_left3A_136 = vector.broadcast %shift_left3A_135 : i32 to vector<784x256xi32>
    %shift_left3A_137 = arith.shli %select_n3A_126, %shift_left3A_136 : vector<784x256xi32>
    %bitcast_convert_type3A_138 = tpu.bitcast %shift_left3A_137 : vector<784x256xi32> -> vector<784x256xf32>
    %and3A_139 = arith.constant -65536 : i32
    %and3A_140 = vector.broadcast %and3A_139 : i32 to vector<784x256xi32>
    %and3A_141 = arith.andi %select_n3A_126, %and3A_140 : vector<784x256xi32>
    %bitcast_convert_type3A_142 = tpu.bitcast %and3A_141 : vector<784x256xi32> -> vector<784x256xf32>
    %get3A_143 = arith.constant 1 : index
    %get3A_144 = arith.constant 0 : index
    %get3A_145 = arith.constant 0 : index
    %get3A_146 = vector.load %arg2[%get3A_143, %get3A_144, %get3A_145] : memref<4x2x784xf32, #tpu.memory_space<vmem>>, vector<1x2x784xf32>
    %get3A_147 = vector.shape_cast %get3A_146 : vector<1x2x784xf32> to vector<2x784xf32>
    %slice3A_148 = vector.extract_strided_slice %get3A_147 {offsets = [0, 0], sizes = [1, 784], strides = [1, 1]} : vector<2x784xf32> to vector<1x784xf32>
    %dot_general3A_149 = arith.constant dense<0.000000e+00> : vector<784x256xf32>
    %dot_general3A_150 = tpu.matmul %slice3A_148, %broadcast_in_dim3A_0, %dot_general3A_149 {dimension_numbers = #tpu.dot_dimension_numbers<[0], [0], [1], [1], [0, 1, 1, 1], [], []>, transpose_lhs_hint = false} : vector<1x784xf32>, vector<1x256xf32>, vector<784x256xf32> -> vector<784x256xf32>
    %slice3A_151 = vector.extract_strided_slice %get3A_147 {offsets = [1, 0], sizes = [1, 784], strides = [1, 1]} : vector<2x784xf32> to vector<1x784xf32>
    %dot_general3A_152 = arith.constant dense<0.000000e+00> : vector<784x256xf32>
    %dot_general3A_153 = tpu.matmul %slice3A_151, %broadcast_in_dim3A_0, %dot_general3A_152 {dimension_numbers = #tpu.dot_dimension_numbers<[0], [0], [1], [1], [0, 1, 1, 1], [], []>, transpose_lhs_hint = false} : vector<1x784xf32>, vector<1x256xf32>, vector<784x256xf32> -> vector<784x256xf32>
    %add3A_154 = arith.addf %bitcast_convert_type3A_130, %bitcast_convert_type3A_138 : vector<784x256xf32>
    %mul3A_155 = arith.mulf %bitcast_convert_type3A_130, %dot_general3A_150 : vector<784x256xf32>
    %mul3A_156 = arith.mulf %bitcast_convert_type3A_138, %dot_general3A_153 : vector<784x256xf32>
    %add3A_157 = arith.addf %mul3A_155, %mul3A_156 : vector<784x256xf32>
    %sub3A_158 = arith.constant 1.000000e+00 : f32
    %sub3A_159 = vector.broadcast %sub3A_158 : f32 to vector<784x256xf32>
    %sub3A_160 = arith.subf %add3A_154, %sub3A_159 : vector<784x256xf32>
    %mul3A_161 = arith.mulf %dot_general3A_150, %sub3A_160 : vector<784x256xf32>
    %gt3A_162 = arith.cmpf ogt, %add3A_157, %mul3A_161 : vector<784x256xf32>
    %gt3A_163 = arith.constant 1.000000e+00 : f32
    %gt3A_164 = vector.broadcast %gt3A_163 : f32 to vector<784x256xf32>
    %gt3A_165 = arith.cmpf ogt, %add3A_154, %gt3A_164 : vector<784x256xf32>
    %and3A_166 = arith.andi %gt3A_162, %gt3A_165 : vector<784x256xi1>
    %jit3A_167 = arith.constant 784 : i32
    %broadcast_in_dim3A_168 = vector.broadcast %jit3A_167 : i32 to vector<784x256xi32>
    %select_n3A_169 = arith.select %and3A_166, %iota3A, %broadcast_in_dim3A_168 : vector<784x256xi1>, vector<784x256xi32>
    %reduce_min3A_170 = arith.constant dense<2147483647> : vector<256xi32>
    %reduce_min3A_171 = vector.multi_reduction <minsi>, %select_n3A_169, %reduce_min3A_170 [0] : vector<784x256xi32> to vector<256xi32>
    %broadcast_in_dim3A_172 = vector.shape_cast %reduce_min3A_171 : vector<256xi32> to vector<1x256xi32>
    %eq3A_173 = vector.broadcast %broadcast_in_dim3A_172 : vector<1x256xi32> to vector<784x256xi32>
    %eq3A_174 = arith.cmpi eq, %iota3A, %eq3A_173 : vector<784x256xi32>
    %jit3A_175 = arith.constant 0.000000e+00 : f32
    %broadcast_in_dim3A_176 = vector.broadcast %jit3A_175 : f32 to vector<784x256xf32>
    %select_n3A_177 = arith.select %eq3A_174, %add3A_157, %broadcast_in_dim3A_176 : vector<784x256xi1>, vector<784x256xf32>
    %reduce_sum3A_178 = arith.constant dense<0.000000e+00> : vector<256xf32>
    %reduce_sum3A_179 = vector.multi_reduction <add>, %select_n3A_177, %reduce_sum3A_178 [0] : vector<784x256xf32> to vector<256xf32>
    %broadcast_in_dim3A_180 = vector.shape_cast %reduce_sum3A_179 : vector<256xf32> to vector<1x256xf32>
    %jit3A_181 = arith.constant 0.000000e+00 : f32
    %broadcast_in_dim3A_182 = vector.broadcast %jit3A_181 : f32 to vector<784x256xf32>
    %select_n3A_183 = arith.select %eq3A_174, %sub3A_160, %broadcast_in_dim3A_182 : vector<784x256xi1>, vector<784x256xf32>
    %reduce_sum3A_184 = arith.constant dense<0.000000e+00> : vector<256xf32>
    %reduce_sum3A_185 = vector.multi_reduction <add>, %select_n3A_183, %reduce_sum3A_184 [0] : vector<784x256xf32> to vector<256xf32>
    %broadcast_in_dim3A_186 = vector.shape_cast %reduce_sum3A_185 : vector<256xf32> to vector<1x256xf32>
    %max3A_187 = arith.constant 1.000000e-10 : f32
    %max3A_188 = vector.broadcast %max3A_187 : f32 to vector<1x256xf32>
    %max3A_189 = arith.maximumf %broadcast_in_dim3A_186, %max3A_188 : vector<1x256xf32>
    %eq3A_190 = arith.constant 784 : i32
    %eq3A_191 = vector.broadcast %eq3A_190 : i32 to vector<1x256xi32>
    %eq3A_192 = arith.cmpi eq, %broadcast_in_dim3A_172, %eq3A_191 : vector<1x256xi32>
    %div3A_193 = arith.divf %broadcast_in_dim3A_180, %max3A_189 : vector<1x256xf32>
    %jit3A_194 = arith.constant 1.000000e+10 : f32
    %broadcast_in_dim3A_195 = vector.broadcast %jit3A_194 : f32 to vector<1x256xf32>
    %select_n3A_196 = arith.select %eq3A_192, %broadcast_in_dim3A_195, %div3A_193 : vector<1x256xi1>, vector<1x256xf32>
    %add3A_197 = arith.addf %bitcast_convert_type3A_134, %bitcast_convert_type3A_142 : vector<784x256xf32>
    %mul3A_198 = arith.mulf %bitcast_convert_type3A_134, %dot_general3A_150 : vector<784x256xf32>
    %mul3A_199 = arith.mulf %bitcast_convert_type3A_142, %dot_general3A_153 : vector<784x256xf32>
    %add3A_200 = arith.addf %mul3A_198, %mul3A_199 : vector<784x256xf32>
    %sub3A_201 = arith.constant 1.000000e+00 : f32
    %sub3A_202 = vector.broadcast %sub3A_201 : f32 to vector<784x256xf32>
    %sub3A_203 = arith.subf %add3A_197, %sub3A_202 : vector<784x256xf32>
    %mul3A_204 = arith.mulf %dot_general3A_150, %sub3A_203 : vector<784x256xf32>
    %gt3A_205 = arith.cmpf ogt, %add3A_200, %mul3A_204 : vector<784x256xf32>
    %gt3A_206 = arith.constant 1.000000e+00 : f32
    %gt3A_207 = vector.broadcast %gt3A_206 : f32 to vector<784x256xf32>
    %gt3A_208 = arith.cmpf ogt, %add3A_197, %gt3A_207 : vector<784x256xf32>
    %and3A_209 = arith.andi %gt3A_205, %gt3A_208 : vector<784x256xi1>
    %jit3A_210 = arith.constant 784 : i32
    %broadcast_in_dim3A_211 = vector.broadcast %jit3A_210 : i32 to vector<784x256xi32>
    %select_n3A_212 = arith.select %and3A_209, %iota3A, %broadcast_in_dim3A_211 : vector<784x256xi1>, vector<784x256xi32>
    %reduce_min3A_213 = arith.constant dense<2147483647> : vector<256xi32>
    %reduce_min3A_214 = vector.multi_reduction <minsi>, %select_n3A_212, %reduce_min3A_213 [0] : vector<784x256xi32> to vector<256xi32>
    %broadcast_in_dim3A_215 = vector.shape_cast %reduce_min3A_214 : vector<256xi32> to vector<1x256xi32>
    %eq3A_216 = vector.broadcast %broadcast_in_dim3A_215 : vector<1x256xi32> to vector<784x256xi32>
    %eq3A_217 = arith.cmpi eq, %iota3A, %eq3A_216 : vector<784x256xi32>
    %jit3A_218 = arith.constant 0.000000e+00 : f32
    %broadcast_in_dim3A_219 = vector.broadcast %jit3A_218 : f32 to vector<784x256xf32>
    %select_n3A_220 = arith.select %eq3A_217, %add3A_200, %broadcast_in_dim3A_219 : vector<784x256xi1>, vector<784x256xf32>
    %reduce_sum3A_221 = arith.constant dense<0.000000e+00> : vector<256xf32>
    %reduce_sum3A_222 = vector.multi_reduction <add>, %select_n3A_220, %reduce_sum3A_221 [0] : vector<784x256xf32> to vector<256xf32>
    %broadcast_in_dim3A_223 = vector.shape_cast %reduce_sum3A_222 : vector<256xf32> to vector<1x256xf32>
    %jit3A_224 = arith.constant 0.000000e+00 : f32
    %broadcast_in_dim3A_225 = vector.broadcast %jit3A_224 : f32 to vector<784x256xf32>
    %select_n3A_226 = arith.select %eq3A_217, %sub3A_203, %broadcast_in_dim3A_225 : vector<784x256xi1>, vector<784x256xf32>
    %reduce_sum3A_227 = arith.constant dense<0.000000e+00> : vector<256xf32>
    %reduce_sum3A_228 = vector.multi_reduction <add>, %select_n3A_226, %reduce_sum3A_227 [0] : vector<784x256xf32> to vector<256xf32>
    %broadcast_in_dim3A_229 = vector.shape_cast %reduce_sum3A_228 : vector<256xf32> to vector<1x256xf32>
    %max3A_230 = arith.constant 1.000000e-10 : f32
    %max3A_231 = vector.broadcast %max3A_230 : f32 to vector<1x256xf32>
    %max3A_232 = arith.maximumf %broadcast_in_dim3A_229, %max3A_231 : vector<1x256xf32>
    %eq3A_233 = arith.constant 784 : i32
    %eq3A_234 = vector.broadcast %eq3A_233 : i32 to vector<1x256xi32>
    %eq3A_235 = arith.cmpi eq, %broadcast_in_dim3A_215, %eq3A_234 : vector<1x256xi32>
    %div3A_236 = arith.divf %broadcast_in_dim3A_223, %max3A_232 : vector<1x256xf32>
    %jit3A_237 = arith.constant 1.000000e+10 : f32
    %broadcast_in_dim3A_238 = vector.broadcast %jit3A_237 : f32 to vector<1x256xf32>
    %select_n3A_239 = arith.select %eq3A_235, %broadcast_in_dim3A_238, %div3A_236 : vector<1x256xi1>, vector<1x256xf32>
    %concatenate3A_240 = tpu.concatenate %select_n3A_196, %select_n3A_239 in 1 : vector<1x256xf32>, vector<1x256xf32> -> vector<1x512xf32>
    %swap3A_241 = arith.constant 1 : index
    %swap3A_242 = arith.constant 0 : index
    %swap3A_243 = arith.constant 0 : index
    %swap3A_244 = vector.load %arg3[%swap3A_241, %swap3A_242, %swap3A_243] : memref<4x1x512xf32, #tpu.memory_space<vmem>>, vector<1x1x512xf32>
    %swap3A_245 = vector.shape_cast %swap3A_244 : vector<1x1x512xf32> to vector<1x512xf32>
    %swap3A_246 = vector.shape_cast %concatenate3A_240 : vector<1x512xf32> to vector<1x1x512xf32>
    tpu.vector_store %arg3[%swap3A_241, %swap3A_242, %swap3A_243], %swap3A_246 {strides = array<i32>} : memref<4x1x512xf32, #tpu.memory_space<vmem>>, vector<1x1x512xf32>,
    %get3A_247 = arith.constant 2 : index
    %get3A_248 = arith.constant 0 : index
    %get3A_249 = arith.constant 0 : index
    %get3A_250 = vector.load %arg1[%get3A_247, %get3A_248, %get3A_249] : memref<4x784x256xi32, #tpu.memory_space<vmem>>, vector<1x784x256xi32>
    %get3A_251 = vector.shape_cast %get3A_250 : vector<1x784x256xi32> to vector<784x256xi32>
    %gt3A_252 = arith.constant 0 : i32
    %gt3A_253 = vector.broadcast %gt3A_252 : i32 to vector<784x256xi32>
    %gt3A_254 = arith.cmpi sgt, %iota3A, %gt3A_253 : vector<784x256xi32>
    %roll3A_255 = arith.constant 1 : i32
    %roll3A_256 = tpu.dynamic_rotate %get3A_251 by %roll3A_255 dim 0 : vector<784x256xi32>, i32 -> vector<784x256xi32>
    %jit3A_257 = arith.constant 0 : i32
    %broadcast_in_dim3A_258 = vector.broadcast %jit3A_257 : i32 to vector<784x256xi32>
    %select_n3A_259 = arith.select %gt3A_254, %roll3A_256, %broadcast_in_dim3A_258 : vector<784x256xi1>, vector<784x256xi32>
    %shift_left3A_260 = arith.constant 16 : i32
    %shift_left3A_261 = vector.broadcast %shift_left3A_260 : i32 to vector<784x256xi32>
    %shift_left3A_262 = arith.shli %get3A_251, %shift_left3A_261 : vector<784x256xi32>
    %bitcast_convert_type3A_263 = tpu.bitcast %shift_left3A_262 : vector<784x256xi32> -> vector<784x256xf32>
    %and3A_264 = arith.constant -65536 : i32
    %and3A_265 = vector.broadcast %and3A_264 : i32 to vector<784x256xi32>
    %and3A_266 = arith.andi %get3A_251, %and3A_265 : vector<784x256xi32>
    %bitcast_convert_type3A_267 = tpu.bitcast %and3A_266 : vector<784x256xi32> -> vector<784x256xf32>
    %shift_left3A_268 = arith.constant 16 : i32
    %shift_left3A_269 = vector.broadcast %shift_left3A_268 : i32 to vector<784x256xi32>
    %shift_left3A_270 = arith.shli %select_n3A_259, %shift_left3A_269 : vector<784x256xi32>
    %bitcast_convert_type3A_271 = tpu.bitcast %shift_left3A_270 : vector<784x256xi32> -> vector<784x256xf32>
    %and3A_272 = arith.constant -65536 : i32
    %and3A_273 = vector.broadcast %and3A_272 : i32 to vector<784x256xi32>
    %and3A_274 = arith.andi %select_n3A_259, %and3A_273 : vector<784x256xi32>
    %bitcast_convert_type3A_275 = tpu.bitcast %and3A_274 : vector<784x256xi32> -> vector<784x256xf32>
    %get3A_276 = arith.constant 2 : index
    %get3A_277 = arith.constant 0 : index
    %get3A_278 = arith.constant 0 : index
    %get3A_279 = vector.load %arg2[%get3A_276, %get3A_277, %get3A_278] : memref<4x2x784xf32, #tpu.memory_space<vmem>>, vector<1x2x784xf32>
    %get3A_280 = vector.shape_cast %get3A_279 : vector<1x2x784xf32> to vector<2x784xf32>
    %slice3A_281 = vector.extract_strided_slice %get3A_280 {offsets = [0, 0], sizes = [1, 784], strides = [1, 1]} : vector<2x784xf32> to vector<1x784xf32>
    %dot_general3A_282 = arith.constant dense<0.000000e+00> : vector<784x256xf32>
    %dot_general3A_283 = tpu.matmul %slice3A_281, %broadcast_in_dim3A_0, %dot_general3A_282 {dimension_numbers = #tpu.dot_dimension_numbers<[0], [0], [1], [1], [0, 1, 1, 1], [], []>, transpose_lhs_hint = false} : vector<1x784xf32>, vector<1x256xf32>, vector<784x256xf32> -> vector<784x256xf32>
    %slice3A_284 = vector.extract_strided_slice %get3A_280 {offsets = [1, 0], sizes = [1, 784], strides = [1, 1]} : vector<2x784xf32> to vector<1x784xf32>
    %dot_general3A_285 = arith.constant dense<0.000000e+00> : vector<784x256xf32>
    %dot_general3A_286 = tpu.matmul %slice3A_284, %broadcast_in_dim3A_0, %dot_general3A_285 {dimension_numbers = #tpu.dot_dimension_numbers<[0], [0], [1], [1], [0, 1, 1, 1], [], []>, transpose_lhs_hint = false} : vector<1x784xf32>, vector<1x256xf32>, vector<784x256xf32> -> vector<784x256xf32>
    %add3A_287 = arith.addf %bitcast_convert_type3A_263, %bitcast_convert_type3A_271 : vector<784x256xf32>
    %mul3A_288 = arith.mulf %bitcast_convert_type3A_263, %dot_general3A_283 : vector<784x256xf32>
    %mul3A_289 = arith.mulf %bitcast_convert_type3A_271, %dot_general3A_286 : vector<784x256xf32>
    %add3A_290 = arith.addf %mul3A_288, %mul3A_289 : vector<784x256xf32>
    %sub3A_291 = arith.constant 1.000000e+00 : f32
    %sub3A_292 = vector.broadcast %sub3A_291 : f32 to vector<784x256xf32>
    %sub3A_293 = arith.subf %add3A_287, %sub3A_292 : vector<784x256xf32>
    %mul3A_294 = arith.mulf %dot_general3A_283, %sub3A_293 : vector<784x256xf32>
    %gt3A_295 = arith.cmpf ogt, %add3A_290, %mul3A_294 : vector<784x256xf32>
    %gt3A_296 = arith.constant 1.000000e+00 : f32
    %gt3A_297 = vector.broadcast %gt3A_296 : f32 to vector<784x256xf32>
    %gt3A_298 = arith.cmpf ogt, %add3A_287, %gt3A_297 : vector<784x256xf32>
    %and3A_299 = arith.andi %gt3A_295, %gt3A_298 : vector<784x256xi1>
    %jit3A_300 = arith.constant 784 : i32
    %broadcast_in_dim3A_301 = vector.broadcast %jit3A_300 : i32 to vector<784x256xi32>
    %select_n3A_302 = arith.select %and3A_299, %iota3A, %broadcast_in_dim3A_301 : vector<784x256xi1>, vector<784x256xi32>
    %reduce_min3A_303 = arith.constant dense<2147483647> : vector<256xi32>
    %reduce_min3A_304 = vector.multi_reduction <minsi>, %select_n3A_302, %reduce_min3A_303 [0] : vector<784x256xi32> to vector<256xi32>
    %broadcast_in_dim3A_305 = vector.shape_cast %reduce_min3A_304 : vector<256xi32> to vector<1x256xi32>
    %eq3A_306 = vector.broadcast %broadcast_in_dim3A_305 : vector<1x256xi32> to vector<784x256xi32>
    %eq3A_307 = arith.cmpi eq, %iota3A, %eq3A_306 : vector<784x256xi32>
    %jit3A_308 = arith.constant 0.000000e+00 : f32
    %broadcast_in_dim3A_309 = vector.broadcast %jit3A_308 : f32 to vector<784x256xf32>
    %select_n3A_310 = arith.select %eq3A_307, %add3A_290, %broadcast_in_dim3A_309 : vector<784x256xi1>, vector<784x256xf32>
    %reduce_sum3A_311 = arith.constant dense<0.000000e+00> : vector<256xf32>
    %reduce_sum3A_312 = vector.multi_reduction <add>, %select_n3A_310, %reduce_sum3A_311 [0] : vector<784x256xf32> to vector<256xf32>
    %broadcast_in_dim3A_313 = vector.shape_cast %reduce_sum3A_312 : vector<256xf32> to vector<1x256xf32>
    %jit3A_314 = arith.constant 0.000000e+00 : f32
    %broadcast_in_dim3A_315 = vector.broadcast %jit3A_314 : f32 to vector<784x256xf32>
    %select_n3A_316 = arith.select %eq3A_307, %sub3A_293, %broadcast_in_dim3A_315 : vector<784x256xi1>, vector<784x256xf32>
    %reduce_sum3A_317 = arith.constant dense<0.000000e+00> : vector<256xf32>
    %reduce_sum3A_318 = vector.multi_reduction <add>, %select_n3A_316, %reduce_sum3A_317 [0] : vector<784x256xf32> to vector<256xf32>
    %broadcast_in_dim3A_319 = vector.shape_cast %reduce_sum3A_318 : vector<256xf32> to vector<1x256xf32>
    %max3A_320 = arith.constant 1.000000e-10 : f32
    %max3A_321 = vector.broadcast %max3A_320 : f32 to vector<1x256xf32>
    %max3A_322 = arith.maximumf %broadcast_in_dim3A_319, %max3A_321 : vector<1x256xf32>
    %eq3A_323 = arith.constant 784 : i32
    %eq3A_324 = vector.broadcast %eq3A_323 : i32 to vector<1x256xi32>
    %eq3A_325 = arith.cmpi eq, %broadcast_in_dim3A_305, %eq3A_324 : vector<1x256xi32>
    %div3A_326 = arith.divf %broadcast_in_dim3A_313, %max3A_322 : vector<1x256xf32>
    %jit3A_327 = arith.constant 1.000000e+10 : f32
    %broadcast_in_dim3A_328 = vector.broadcast %jit3A_327 : f32 to vector<1x256xf32>
    %select_n3A_329 = arith.select %eq3A_325, %broadcast_in_dim3A_328, %div3A_326 : vector<1x256xi1>, vector<1x256xf32>
    %add3A_330 = arith.addf %bitcast_convert_type3A_267, %bitcast_convert_type3A_275 : vector<784x256xf32>
    %mul3A_331 = arith.mulf %bitcast_convert_type3A_267, %dot_general3A_283 : vector<784x256xf32>
    %mul3A_332 = arith.mulf %bitcast_convert_type3A_275, %dot_general3A_286 : vector<784x256xf32>
    %add3A_333 = arith.addf %mul3A_331, %mul3A_332 : vector<784x256xf32>
    %sub3A_334 = arith.constant 1.000000e+00 : f32
    %sub3A_335 = vector.broadcast %sub3A_334 : f32 to vector<784x256xf32>
    %sub3A_336 = arith.subf %add3A_330, %sub3A_335 : vector<784x256xf32>
    %mul3A_337 = arith.mulf %dot_general3A_283, %sub3A_336 : vector<784x256xf32>
    %gt3A_338 = arith.cmpf ogt, %add3A_333, %mul3A_337 : vector<784x256xf32>
    %gt3A_339 = arith.constant 1.000000e+00 : f32
    %gt3A_340 = vector.broadcast %gt3A_339 : f32 to vector<784x256xf32>
    %gt3A_341 = arith.cmpf ogt, %add3A_330, %gt3A_340 : vector<784x256xf32>
    %and3A_342 = arith.andi %gt3A_338, %gt3A_341 : vector<784x256xi1>
    %jit3A_343 = arith.constant 784 : i32
    %broadcast_in_dim3A_344 = vector.broadcast %jit3A_343 : i32 to vector<784x256xi32>
    %select_n3A_345 = arith.select %and3A_342, %iota3A, %broadcast_in_dim3A_344 : vector<784x256xi1>, vector<784x256xi32>
    %reduce_min3A_346 = arith.constant dense<2147483647> : vector<256xi32>
    %reduce_min3A_347 = vector.multi_reduction <minsi>, %select_n3A_345, %reduce_min3A_346 [0] : vector<784x256xi32> to vector<256xi32>
    %broadcast_in_dim3A_348 = vector.shape_cast %reduce_min3A_347 : vector<256xi32> to vector<1x256xi32>
    %eq3A_349 = vector.broadcast %broadcast_in_dim3A_348 : vector<1x256xi32> to vector<784x256xi32>
    %eq3A_350 = arith.cmpi eq, %iota3A, %eq3A_349 : vector<784x256xi32>
    %jit3A_351 = arith.constant 0.000000e+00 : f32
    %broadcast_in_dim3A_352 = vector.broadcast %jit3A_351 : f32 to vector<784x256xf32>
    %select_n3A_353 = arith.select %eq3A_350, %add3A_333, %broadcast_in_dim3A_352 : vector<784x256xi1>, vector<784x256xf32>
    %reduce_sum3A_354 = arith.constant dense<0.000000e+00> : vector<256xf32>
    %reduce_sum3A_355 = vector.multi_reduction <add>, %select_n3A_353, %reduce_sum3A_354 [0] : vector<784x256xf32> to vector<256xf32>
    %broadcast_in_dim3A_356 = vector.shape_cast %reduce_sum3A_355 : vector<256xf32> to vector<1x256xf32>
    %jit3A_357 = arith.constant 0.000000e+00 : f32
    %broadcast_in_dim3A_358 = vector.broadcast %jit3A_357 : f32 to vector<784x256xf32>
    %select_n3A_359 = arith.select %eq3A_350, %sub3A_336, %broadcast_in_dim3A_358 : vector<784x256xi1>, vector<784x256xf32>
    %reduce_sum3A_360 = arith.constant dense<0.000000e+00> : vector<256xf32>
    %reduce_sum3A_361 = vector.multi_reduction <add>, %select_n3A_359, %reduce_sum3A_360 [0] : vector<784x256xf32> to vector<256xf32>
    %broadcast_in_dim3A_362 = vector.shape_cast %reduce_sum3A_361 : vector<256xf32> to vector<1x256xf32>
    %max3A_363 = arith.constant 1.000000e-10 : f32
    %max3A_364 = vector.broadcast %max3A_363 : f32 to vector<1x256xf32>
    %max3A_365 = arith.maximumf %broadcast_in_dim3A_362, %max3A_364 : vector<1x256xf32>
    %eq3A_366 = arith.constant 784 : i32
    %eq3A_367 = vector.broadcast %eq3A_366 : i32 to vector<1x256xi32>
    %eq3A_368 = arith.cmpi eq, %broadcast_in_dim3A_348, %eq3A_367 : vector<1x256xi32>
    %div3A_369 = arith.divf %broadcast_in_dim3A_356, %max3A_365 : vector<1x256xf32>
    %jit3A_370 = arith.constant 1.000000e+10 : f32
    %broadcast_in_dim3A_371 = vector.broadcast %jit3A_370 : f32 to vector<1x256xf32>
    %select_n3A_372 = arith.select %eq3A_368, %broadcast_in_dim3A_371, %div3A_369 : vector<1x256xi1>, vector<1x256xf32>
    %concatenate3A_373 = tpu.concatenate %select_n3A_329, %select_n3A_372 in 1 : vector<1x256xf32>, vector<1x256xf32> -> vector<1x512xf32>
    %swap3A_374 = arith.constant 2 : index
    %swap3A_375 = arith.constant 0 : index
    %swap3A_376 = arith.constant 0 : index
    %swap3A_377 = vector.load %arg3[%swap3A_374, %swap3A_375, %swap3A_376] : memref<4x1x512xf32, #tpu.memory_space<vmem>>, vector<1x1x512xf32>
    %swap3A_378 = vector.shape_cast %swap3A_377 : vector<1x1x512xf32> to vector<1x512xf32>
    %swap3A_379 = vector.shape_cast %concatenate3A_373 : vector<1x512xf32> to vector<1x1x512xf32>
    tpu.vector_store %arg3[%swap3A_374, %swap3A_375, %swap3A_376], %swap3A_379 {strides = array<i32>} : memref<4x1x512xf32, #tpu.memory_space<vmem>>, vector<1x1x512xf32>,
    %get3A_380 = arith.constant 3 : index
    %get3A_381 = arith.constant 0 : index
    %get3A_382 = arith.constant 0 : index
    %get3A_383 = vector.load %arg1[%get3A_380, %get3A_381, %get3A_382] : memref<4x784x256xi32, #tpu.memory_space<vmem>>, vector<1x784x256xi32>
    %get3A_384 = vector.shape_cast %get3A_383 : vector<1x784x256xi32> to vector<784x256xi32>
    %gt3A_385 = arith.constant 0 : i32
    %gt3A_386 = vector.broadcast %gt3A_385 : i32 to vector<784x256xi32>
    %gt3A_387 = arith.cmpi sgt, %iota3A, %gt3A_386 : vector<784x256xi32>
    %roll3A_388 = arith.constant 1 : i32
    %roll3A_389 = tpu.dynamic_rotate %get3A_384 by %roll3A_388 dim 0 : vector<784x256xi32>, i32 -> vector<784x256xi32>
    %jit3A_390 = arith.constant 0 : i32
    %broadcast_in_dim3A_391 = vector.broadcast %jit3A_390 : i32 to vector<784x256xi32>
    %select_n3A_392 = arith.select %gt3A_387, %roll3A_389, %broadcast_in_dim3A_391 : vector<784x256xi1>, vector<784x256xi32>
    %shift_left3A_393 = arith.constant 16 : i32
    %shift_left3A_394 = vector.broadcast %shift_left3A_393 : i32 to vector<784x256xi32>
    %shift_left3A_395 = arith.shli %get3A_384, %shift_left3A_394 : vector<784x256xi32>
    %bitcast_convert_type3A_396 = tpu.bitcast %shift_left3A_395 : vector<784x256xi32> -> vector<784x256xf32>
    %and3A_397 = arith.constant -65536 : i32
    %and3A_398 = vector.broadcast %and3A_397 : i32 to vector<784x256xi32>
    %and3A_399 = arith.andi %get3A_384, %and3A_398 : vector<784x256xi32>
    %bitcast_convert_type3A_400 = tpu.bitcast %and3A_399 : vector<784x256xi32> -> vector<784x256xf32>
    %shift_left3A_401 = arith.constant 16 : i32
    %shift_left3A_402 = vector.broadcast %shift_left3A_401 : i32 to vector<784x256xi32>
    %shift_left3A_403 = arith.shli %select_n3A_392, %shift_left3A_402 : vector<784x256xi32>
    %bitcast_convert_type3A_404 = tpu.bitcast %shift_left3A_403 : vector<784x256xi32> -> vector<784x256xf32>
    %and3A_405 = arith.constant -65536 : i32
    %and3A_406 = vector.broadcast %and3A_405 : i32 to vector<784x256xi32>
    %and3A_407 = arith.andi %select_n3A_392, %and3A_406 : vector<784x256xi32>
    %bitcast_convert_type3A_408 = tpu.bitcast %and3A_407 : vector<784x256xi32> -> vector<784x256xf32>
    %get3A_409 = arith.constant 3 : index
    %get3A_410 = arith.constant 0 : index
    %get3A_411 = arith.constant 0 : index
    %get3A_412 = vector.load %arg2[%get3A_409, %get3A_410, %get3A_411] : memref<4x2x784xf32, #tpu.memory_space<vmem>>, vector<1x2x784xf32>
    %get3A_413 = vector.shape_cast %get3A_412 : vector<1x2x784xf32> to vector<2x784xf32>
    %slice3A_414 = vector.extract_strided_slice %get3A_413 {offsets = [0, 0], sizes = [1, 784], strides = [1, 1]} : vector<2x784xf32> to vector<1x784xf32>
    %dot_general3A_415 = arith.constant dense<0.000000e+00> : vector<784x256xf32>
    %dot_general3A_416 = tpu.matmul %slice3A_414, %broadcast_in_dim3A_0, %dot_general3A_415 {dimension_numbers = #tpu.dot_dimension_numbers<[0], [0], [1], [1], [0, 1, 1, 1], [], []>, transpose_lhs_hint = false} : vector<1x784xf32>, vector<1x256xf32>, vector<784x256xf32> -> vector<784x256xf32>
    %slice3A_417 = vector.extract_strided_slice %get3A_413 {offsets = [1, 0], sizes = [1, 784], strides = [1, 1]} : vector<2x784xf32> to vector<1x784xf32>
    %dot_general3A_418 = arith.constant dense<0.000000e+00> : vector<784x256xf32>
    %dot_general3A_419 = tpu.matmul %slice3A_417, %broadcast_in_dim3A_0, %dot_general3A_418 {dimension_numbers = #tpu.dot_dimension_numbers<[0], [0], [1], [1], [0, 1, 1, 1], [], []>, transpose_lhs_hint = false} : vector<1x784xf32>, vector<1x256xf32>, vector<784x256xf32> -> vector<784x256xf32>
    %add3A_420 = arith.addf %bitcast_convert_type3A_396, %bitcast_convert_type3A_404 : vector<784x256xf32>
    %mul3A_421 = arith.mulf %bitcast_convert_type3A_396, %dot_general3A_416 : vector<784x256xf32>
    %mul3A_422 = arith.mulf %bitcast_convert_type3A_404, %dot_general3A_419 : vector<784x256xf32>
    %add3A_423 = arith.addf %mul3A_421, %mul3A_422 : vector<784x256xf32>
    %sub3A_424 = arith.constant 1.000000e+00 : f32
    %sub3A_425 = vector.broadcast %sub3A_424 : f32 to vector<784x256xf32>
    %sub3A_426 = arith.subf %add3A_420, %sub3A_425 : vector<784x256xf32>
    %mul3A_427 = arith.mulf %dot_general3A_416, %sub3A_426 : vector<784x256xf32>
    %gt3A_428 = arith.cmpf ogt, %add3A_423, %mul3A_427 : vector<784x256xf32>
    %gt3A_429 = arith.constant 1.000000e+00 : f32
    %gt3A_430 = vector.broadcast %gt3A_429 : f32 to vector<784x256xf32>
    %gt3A_431 = arith.cmpf ogt, %add3A_420, %gt3A_430 : vector<784x256xf32>
    %and3A_432 = arith.andi %gt3A_428, %gt3A_431 : vector<784x256xi1>
    %jit3A_433 = arith.constant 784 : i32
    %broadcast_in_dim3A_434 = vector.broadcast %jit3A_433 : i32 to vector<784x256xi32>
    %select_n3A_435 = arith.select %and3A_432, %iota3A, %broadcast_in_dim3A_434 : vector<784x256xi1>, vector<784x256xi32>
    %reduce_min3A_436 = arith.constant dense<2147483647> : vector<256xi32>
    %reduce_min3A_437 = vector.multi_reduction <minsi>, %select_n3A_435, %reduce_min3A_436 [0] : vector<784x256xi32> to vector<256xi32>
    %broadcast_in_dim3A_438 = vector.shape_cast %reduce_min3A_437 : vector<256xi32> to vector<1x256xi32>
    %eq3A_439 = vector.broadcast %broadcast_in_dim3A_438 : vector<1x256xi32> to vector<784x256xi32>
    %eq3A_440 = arith.cmpi eq, %iota3A, %eq3A_439 : vector<784x256xi32>
    %jit3A_441 = arith.constant 0.000000e+00 : f32
    %broadcast_in_dim3A_442 = vector.broadcast %jit3A_441 : f32 to vector<784x256xf32>
    %select_n3A_443 = arith.select %eq3A_440, %add3A_423, %broadcast_in_dim3A_442 : vector<784x256xi1>, vector<784x256xf32>
    %reduce_sum3A_444 = arith.constant dense<0.000000e+00> : vector<256xf32>
    %reduce_sum3A_445 = vector.multi_reduction <add>, %select_n3A_443, %reduce_sum3A_444 [0] : vector<784x256xf32> to vector<256xf32>
    %broadcast_in_dim3A_446 = vector.shape_cast %reduce_sum3A_445 : vector<256xf32> to vector<1x256xf32>
    %jit3A_447 = arith.constant 0.000000e+00 : f32
    %broadcast_in_dim3A_448 = vector.broadcast %jit3A_447 : f32 to vector<784x256xf32>
    %select_n3A_449 = arith.select %eq3A_440, %sub3A_426, %broadcast_in_dim3A_448 : vector<784x256xi1>, vector<784x256xf32>
    %reduce_sum3A_450 = arith.constant dense<0.000000e+00> : vector<256xf32>
    %reduce_sum3A_451 = vector.multi_reduction <add>, %select_n3A_449, %reduce_sum3A_450 [0] : vector<784x256xf32> to vector<256xf32>
    %broadcast_in_dim3A_452 = vector.shape_cast %reduce_sum3A_451 : vector<256xf32> to vector<1x256xf32>
    %max3A_453 = arith.constant 1.000000e-10 : f32
    %max3A_454 = vector.broadcast %max3A_453 : f32 to vector<1x256xf32>
    %max3A_455 = arith.maximumf %broadcast_in_dim3A_452, %max3A_454 : vector<1x256xf32>
    %eq3A_456 = arith.constant 784 : i32
    %eq3A_457 = vector.broadcast %eq3A_456 : i32 to vector<1x256xi32>
    %eq3A_458 = arith.cmpi eq, %broadcast_in_dim3A_438, %eq3A_457 : vector<1x256xi32>
    %div3A_459 = arith.divf %broadcast_in_dim3A_446, %max3A_455 : vector<1x256xf32>
    %jit3A_460 = arith.constant 1.000000e+10 : f32
    %broadcast_in_dim3A_461 = vector.broadcast %jit3A_460 : f32 to vector<1x256xf32>
    %select_n3A_462 = arith.select %eq3A_458, %broadcast_in_dim3A_461, %div3A_459 : vector<1x256xi1>, vector<1x256xf32>
    %add3A_463 = arith.addf %bitcast_convert_type3A_400, %bitcast_convert_type3A_408 : vector<784x256xf32>
    %mul3A_464 = arith.mulf %bitcast_convert_type3A_400, %dot_general3A_416 : vector<784x256xf32>
    %mul3A_465 = arith.mulf %bitcast_convert_type3A_408, %dot_general3A_419 : vector<784x256xf32>
    %add3A_466 = arith.addf %mul3A_464, %mul3A_465 : vector<784x256xf32>
    %sub3A_467 = arith.constant 1.000000e+00 : f32
    %sub3A_468 = vector.broadcast %sub3A_467 : f32 to vector<784x256xf32>
    %sub3A_469 = arith.subf %add3A_463, %sub3A_468 : vector<784x256xf32>
    %mul3A_470 = arith.mulf %dot_general3A_416, %sub3A_469 : vector<784x256xf32>
    %gt3A_471 = arith.cmpf ogt, %add3A_466, %mul3A_470 : vector<784x256xf32>
    %gt3A_472 = arith.constant 1.000000e+00 : f32
    %gt3A_473 = vector.broadcast %gt3A_472 : f32 to vector<784x256xf32>
    %gt3A_474 = arith.cmpf ogt, %add3A_463, %gt3A_473 : vector<784x256xf32>
    %and3A_475 = arith.andi %gt3A_471, %gt3A_474 : vector<784x256xi1>
    %jit3A_476 = arith.constant 784 : i32
    %broadcast_in_dim3A_477 = vector.broadcast %jit3A_476 : i32 to vector<784x256xi32>
    %select_n3A_478 = arith.select %and3A_475, %iota3A, %broadcast_in_dim3A_477 : vector<784x256xi1>, vector<784x256xi32>
    %reduce_min3A_479 = arith.constant dense<2147483647> : vector<256xi32>
    %reduce_min3A_480 = vector.multi_reduction <minsi>, %select_n3A_478, %reduce_min3A_479 [0] : vector<784x256xi32> to vector<256xi32>
    %broadcast_in_dim3A_481 = vector.shape_cast %reduce_min3A_480 : vector<256xi32> to vector<1x256xi32>
    %eq3A_482 = vector.broadcast %broadcast_in_dim3A_481 : vector<1x256xi32> to vector<784x256xi32>
    %eq3A_483 = arith.cmpi eq, %iota3A, %eq3A_482 : vector<784x256xi32>
    %jit3A_484 = arith.constant 0.000000e+00 : f32
    %broadcast_in_dim3A_485 = vector.broadcast %jit3A_484 : f32 to vector<784x256xf32>
    %select_n3A_486 = arith.select %eq3A_483, %add3A_466, %broadcast_in_dim3A_485 : vector<784x256xi1>, vector<784x256xf32>
    %reduce_sum3A_487 = arith.constant dense<0.000000e+00> : vector<256xf32>
    %reduce_sum3A_488 = vector.multi_reduction <add>, %select_n3A_486, %reduce_sum3A_487 [0] : vector<784x256xf32> to vector<256xf32>
    %broadcast_in_dim3A_489 = vector.shape_cast %reduce_sum3A_488 : vector<256xf32> to vector<1x256xf32>
    %jit3A_490 = arith.constant 0.000000e+00 : f32
    %broadcast_in_dim3A_491 = vector.broadcast %jit3A_490 : f32 to vector<784x256xf32>
    %select_n3A_492 = arith.select %eq3A_483, %sub3A_469, %broadcast_in_dim3A_491 : vector<784x256xi1>, vector<784x256xf32>
    %reduce_sum3A_493 = arith.constant dense<0.000000e+00> : vector<256xf32>
    %reduce_sum3A_494 = vector.multi_reduction <add>, %select_n3A_492, %reduce_sum3A_493 [0] : vector<784x256xf32> to vector<256xf32>
    %broadcast_in_dim3A_495 = vector.shape_cast %reduce_sum3A_494 : vector<256xf32> to vector<1x256xf32>
    %max3A_496 = arith.constant 1.000000e-10 : f32
    %max3A_497 = vector.broadcast %max3A_496 : f32 to vector<1x256xf32>
    %max3A_498 = arith.maximumf %broadcast_in_dim3A_495, %max3A_497 : vector<1x256xf32>
    %eq3A_499 = arith.constant 784 : i32
    %eq3A_500 = vector.broadcast %eq3A_499 : i32 to vector<1x256xi32>
    %eq3A_501 = arith.cmpi eq, %broadcast_in_dim3A_481, %eq3A_500 : vector<1x256xi32>
    %div3A_502 = arith.divf %broadcast_in_dim3A_489, %max3A_498 : vector<1x256xf32>
    %jit3A_503 = arith.constant 1.000000e+10 : f32
    %broadcast_in_dim3A_504 = vector.broadcast %jit3A_503 : f32 to vector<1x256xf32>
    %select_n3A_505 = arith.select %eq3A_501, %broadcast_in_dim3A_504, %div3A_502 : vector<1x256xi1>, vector<1x256xf32>
    %concatenate3A_506 = tpu.concatenate %select_n3A_462, %select_n3A_505 in 1 : vector<1x256xf32>, vector<1x256xf32> -> vector<1x512xf32>
    %swap3A_507 = arith.constant 3 : index
    %swap3A_508 = arith.constant 0 : index
    %swap3A_509 = arith.constant 0 : index
    %swap3A_510 = vector.load %arg3[%swap3A_507, %swap3A_508, %swap3A_509] : memref<4x1x512xf32, #tpu.memory_space<vmem>>, vector<1x1x512xf32>
    %swap3A_511 = vector.shape_cast %swap3A_510 : vector<1x1x512xf32> to vector<1x512xf32>
    %swap3A_512 = vector.shape_cast %concatenate3A_506 : vector<1x512xf32> to vector<1x1x512xf32>
    tpu.vector_store %arg3[%swap3A_507, %swap3A_508, %swap3A_509], %swap3A_512 {strides = array<i32>} : memref<4x1x512xf32, #tpu.memory_space<vmem>>, vector<1x1x512xf32>,
    return
  }
  func.func @transform_0(%arg0: i32) -> (i32, i32, i32) {
    %c0_i32 = arith.constant 0 : i32
    %c0_i32_0 = arith.constant 0 : i32
    %c0_i32_1 = arith.constant 0 : i32
    return %arg0, %c0_i32, %c0_i32_0 : i32, i32, i32
  }
  func.func @transform_1(%arg0: i32) -> (i32, i32, i32) {
    %c0_i32 = arith.constant 0 : i32
    %c0_i32_0 = arith.constant 0 : i32
    %c0_i32_1 = arith.constant 0 : i32
    return %arg0, %c0_i32, %c0_i32_0 : i32, i32, i32
  }
  func.func @transform_2(%arg0: i32) -> (i32, i32, i32) {
    %c0_i32 = arith.constant 0 : i32
    %c0_i32_0 = arith.constant 0 : i32
    %c0_i32_1 = arith.constant 0 : i32
    return %arg0, %c0_i32, %c0_i32_0 : i32, i32, i32
  }
}

</mosaic_0001>

<sc_bundles>
// kernel: kernel.10.cloned.1.call-start
scs
__scs_entry_jumppad:
0x0: {  	(pc) =	sbr.rel $0x88, $3  }
0x1: {  	(tag) =	ssettag $0x0;
	lr =	simm.s32 $0x1  }
0x2: {  	[smem:$0x3F9F] =	sst lr;
	_ =	strace $0xD0000000  }
0x3: {  	_ = 	snop  }
0x4: {  	_ = 	snop  }
0x5: {  	_ = 	snop  }
0x6: {  	_ = 	snop  }
0x7: {  	_ = 	snop  }
__scs_overlays_trampoline_lowered:
0x8: {  	[smem:$0x3FAE] =	sst s0  }
0x9: {  	[smem:$0x3FAF] =	sst s1  }
0xa: {  	[smem:$0x3FB0] =	sst s2  }
0xb: {  	[smem:$0x3FB1] =	sst s3  }
0xc: {  	[smem:$0x3FB2] =	sst s4  }
0xd: {  	[smem:$0x3FB3] =	sst s5  }
0xe: {  	[smem:$0x3FB4] =	sst s6  }
0xf: {  	[smem:$0x3FB5] =	sst s7  }
0x10: {  	[smem:$0x3FB6] =	sst s8  }
0x11: {  	[smem:$0x3FB7] =	sst s9;
	s0 =	simm.s32 @!p0 $0x0  }
0x12: {  	s1 =	sld [smem:$0x3F9D];
	s0 =	simm.s32 @p0 $0x1  }
0x13: {  	[smem:$0x3FB8] =	sst s0;
	s0 =	simm.s32 @!p1 $0x0  }
0x14: {  	s2 =	sld [smem:$0x3F9C];
	s0 =	simm.s32 @p1 $0x1  }
0x15: {  	[smem:$0x3FB9] =	sst s0;
	s0 =	simm.s32 @!p2 $0x0  }
0x16: {  	s3 =	sld [smem:$0x3FDB];
	s0 =	simm.s32 @p2 $0x1  }
0x17: {  	s4 =	simm.s32 $0x1BF5;
	[smem:$0x3FBB] =	sst s0  }
0x18: {  	s0 =	sld [smem:$0x3F9E];
	_ =	swait.ge [sflag:s4], $0x0  }
0x19: {  	s7 =	sld [smem:$0x3F9F]  }
0x1a: {  	s8 =	sadd.s32 $0xFFFFE003, lr  }
0x1b: {  	s9 =	sadd.s32 $0xFFFFFEF7, lr;
	s5 =	simm.s32 $0xFFFFFFFF;
	p2 =	slt.u32 s8, $0xFFFFF086  }
0x1c: {  	p1 =	slt.u32 s9, $0xF7A;
	s5 =	simm.s32 @!p2 $0x0  }
0x1d: {  	s5 =	simm.s32 @p1 $0x1;
	p0 =	seq.s32 s7, s2  }
0x1e: {  	s7 =	smul.u32 @!p0 $0xF7A, s2;
	p2 =	seq.s32 @!p0 s5, $0x0  }
0x1f: {  	s9 =	smul.u32 $0xF7A, s1;
	s8 =	simm.s32 @!p0 $0x1BF5;
	p2 =	por !p2, p0  }
0x20: {  	[sflag:s8] =	ssyncset.s32 @!p0 $0xFFFFF086;
	s6 =	sadd.s32 @!p0 s3, s7;
	s7 =	simm.s32 @!p0 $0x108  }
0x21: {  	s3 =	sadd.s32 s3, s9;
	s6 =	sadd.s32 @!p0 $0x88, s6;
	s7 =	simm.s32 @p2 $0x1082  }
0x22: {  	[simem:s7], [sflag:s8] =	dma.local @!p0 [hbm:s6], $0xF7A  }
0x23: {  	s9 =	sor.u32 $0xD0000000, s2;
	s6 =	simm.s32 $0x108;
	_ =	swait.ge @!p0 [sflag:s8], $0x0  }
0x24: {  	s3 =	sadd.s32 $0x88, s3;
	s6 =	simm.s32 @!p1 $0x1082;
	[sflag:s4] =	ssyncset.s32 $0xFFFFF086  }
0x25: {  	[simem:s6], [sflag:s4] =	dma.local [hbm:s3], $0xF7A  }
0x26: {  	[smem:$0x3F9F] =	sst s1;
	(tag) =	ssettag s2;
	_ =	strace s9  }
0x27: {  	s1 =	sld [smem:$0x3FAF]  }
0x28: {  	s2 =	sld [smem:$0x3FB0]  }
0x29: {  	s4 =	sld [smem:$0x3FB2]  }
0x2a: {  	p0 =	seq.s32 s5, $0x0;
	s5 =	sld [smem:$0x3FB3]  }
0x2b: {  	s6 =	sld [smem:$0x3FB4]  }
0x2c: {  	s7 =	sld [smem:$0x3FB5]  }
0x2d: {  	s3 =	simm.s32 $0x108;
	s8 =	sld [smem:$0x3FB6]  }
0x2e: {  	s3 =	simm.s32 @!p0 $0x1082;
	s9 =	sld [smem:$0x3FB7]  }
0x2f: {  	lr =	sadd.s32 s0, s3;
	s0 =	sld [smem:$0x3FAE]  }
0x30: {  	s3 =	sld [smem:$0x3FB1]  }
0x31: {  	[smem:$0x3FBA] =	sst s10  }
0x32: {  	s10 =	sld [smem:$0x3FB8];
	_ =	sdelay $0x3  }
0x33: {  	p0 =	seq.s32 s10, $0x1;
	s10 =	sld [smem:$0x3FBA];
	_ =	sdelay $0x3  }
0x34: {  	[smem:$0x3FBA] =	sst s10  }
0x35: {  	s10 =	sld [smem:$0x3FB9];
	_ =	sdelay $0x3  }
0x36: {  	p1 =	seq.s32 s10, $0x1;
	s10 =	sld [smem:$0x3FBA];
	_ =	sdelay $0x3  }
0x37: {  	[smem:$0x3FBA] =	sst s10  }
0x38: {  	s10 =	sld [smem:$0x3FBB]  }
0x39: {  	_ = 	snop;
	(pc) =	sbr.ind lr, $3  }
0x3a: {  	_ = 	snop  }
0x3b: {  	_ = 	snop  }
0x3c: {  	p2 =	seq.s32 s10, $0x1;
	s10 =	sld [smem:$0x3FBA]  }
0x3d: {  	_ =	shalt  }
0x3e: {  	_ =	shalt  }
0x3f: {  	_ =	shalt  }
0x40: {  	_ =	shalt  }
0x41: {  	_ =	shalt  }
0x42: {  	_ =	shalt  }
0x43: {  	_ =	shalt  }
0x44: {  	_ =	shalt  }
0x45: {  	_ =	shalt  }
0x46: {  	_ =	shalt  }
0x47: {  	_ =	shalt  }
0x48: {  	_ =	shalt  }
0x49: {  	_ =	shalt  }
0x4a: {  	_ =	shalt  }
0x4b: {  	_ =	shalt  }
0x4c: {  	_ =	shalt  }
0x4d: {  	_ =	shalt  }
0x4e: {  	_ =	shalt  }
0x4f: {  	_ =	shalt  }
0x50: {  	_ =	shalt  }
0x51: {  	_ =	shalt  }
0x52: {  	_ =	shalt  }
0x53: {  	_ =	shalt  }
0x54: {  	_ =	shalt  }
0x55: {  	_ =	shalt  }
0x56: {  	_ =	shalt  }
0x57: {  	_ =	shalt  }
0x58: {  	_ =	shalt  }
0x59: {  	_ =	shalt  }
0x5a: {  	_ =	shalt  }
0x5b: {  	_ =	shalt  }
0x5c: {  	_ =	shalt  }
0x5d: {  	_ =	shalt  }
0x5e: {  	_ =	shalt  }
0x5f: {  	_ =	shalt  }
0x60: {  	_ =	shalt  }
0x61: {  	_ =	shalt  }
0x62: {  	_ =	shalt  }
0x63: {  	_ =	shalt  }
0x64: {  	_ =	shalt  }
0x65: {  	_ =	shalt  }
0x66: {  	_ =	shalt  }
0x67: {  	_ =	shalt  }
0x68: {  	_ =	shalt  }
0x69: {  	_ =	shalt  }
0x6a: {  	_ =	shalt  }
0x6b: {  	_ =	shalt  }
0x6c: {  	_ =	shalt  }
0x6d: {  	_ =	shalt  }
0x6e: {  	_ =	shalt  }
0x6f: {  	_ =	shalt  }
0x70: {  	_ =	shalt  }
0x71: {  	_ =	shalt  }
0x72: {  	_ =	shalt  }
0x73: {  	_ =	shalt  }
0x74: {  	_ =	shalt  }
0x75: {  	_ =	shalt  }
0x76: {  	_ =	shalt  }
0x77: {  	_ =	shalt  }
0x78: {  	_ =	shalt  }
0x79: {  	_ =	shalt  }
0x7a: {  	_ =	shalt  }
0x7b: {  	_ =	shalt  }
0x7c: {  	_ =	shalt  }
0x7d: {  	_ =	shalt  }
0x7e: {  	_ =	shalt  }
0x7f: {  	_ =	shalt  }
0x80: {  	_ =	shalt  }
0x81: {  	_ =	shalt  }
0x82: {  	_ =	shalt  }
0x83: {  	_ =	shalt  }
0x84: {  	_ =	shalt  }
0x85: {  	_ =	shalt  }
0x86: {  	_ =	shalt  }
0x87: {  	_ =	shalt  }
.Lfunc_end0:
.L_simem_size_0:
called_computation_lowered:
.L_overlay_start_0:
0x88: {  	s2 =	sld [smem:$0x3FD9]  }
0x89: {  	s3 =	sld [smem:$0x3FFE];
	_ =	sdelay $0x1  }
0x8a: {  	s1 =	srdreg.scid  }
0x8b: {  	s0 =	sand.u32 $0x1, s1  }
0x8c: {  	s16 =	sshll.u32 s0, $0xA;
	s2 =	sadd.s32 s3, s2  }
0x8d: {  	s2 =	sadd.s32 s2, s16  }
0x8e: {  	[smem:$0x3FC6] =	sst s2  }
0x8f: {  	_ = 	snop  }
0x90: {  	(tm) =	ssettm $0x1  }
0x91: {  	s17 =	sld [smem:$0x3FFB];
	_ =	sdelay $0x3  }
0x92: {  	_ =	strace s17  }
0x93: {  	s2 =	sld [smem:$0x3FFC];
	_ =	sdelay $0x3  }
0x94: {  	_ =	strace s2  }
0x95: {  	s2 =	sld [smem:$0x3FFD];
	_ =	sdelay $0x3  }
0x96: {  	_ =	strace s2  }
0x97: {  	_ =	strace $0x8FFFFFFF  }
0x98: {  	s18 =	sld [smem:$0x3FDB];
	_ =	sdelay $0x1  }
0x99: {  	s19 =	simm.s32 $_scs_section_size  }
0x9a: {  	s4 =	simm.s32 $_size__tile_overlayer_lowered;
	s5 =	simm.s32 $_tile_overlayer_lowered  }
0x9b: {  	s22 =	simm.s32 $0x1BFF;
	s21 =	sshll.u32 s5, $0x1;
	s2 =	sadd.s32 s19, s18  }
0x9c: {  	s6 =	simm.s32 $0x0;
	s20 =	sshll.u32 s4, $0x1;
	s4 =	sadd.s32 s21, s2  }
0x9d: {  	[timem:s6], [sflag:s22] =	dma.local [hbm:s4], s20  }
0x9e: {  	_ =	swait.ge [sflag:s22], s20  }
0x9f: {  	s3 =	ssub.s32 $0x0, s20;
	[sflag:s22] =	ssyncset.done $0x0  }
0xa0: {  	[sflag:s22] =	ssyncadd.s32 s3;
	_ =	sdelay $0x1  }
0xa1: {  	s23 =	simm.s32 $0x1B8B  }
0xa2: {  	_ =	swait.ge [sflag:s23], $0x1  }
0xa3: {  	[sflag:s23] =	ssyncset.done $0x0  }
0xa4: {  	s25 =	simm.s32 $0x1B8E;
	s24 =	sld [smem:$0x3FFE];
	[sflag:s23] =	ssyncadd.s32 $0xFFFFFFFF  }
0xa5: {  	s26 =	simm.s32 $execute0_lowered;
	[smem:$0x3FD2] =	sst s25  }
0xa6: {  	s4 =	sshll.u32 s26, $0x1;
	_ =	strace $0x80000046;
	[dreg:$0x1] =	wrdreg $0xFFFFFFFF  }
0xa7: {  	s28 =	simm.s32 $_size_execute0_lowered;
	s2 =	sadd.s32 s2, s4;
	[dreg:$0x0] =	wrdreg $0x0  }
0xa8: {  	s4 =	sshll.u32 s28, $0x1;
	[dreg:$0x2] =	wrdreg s2  }
0xa9: {  	[dreg:$0x3] =	wrdreg s4  }
0xaa: {  	[dreg:$0x4] =	wrdreg $0xC0  }
0xab: {  	_ =	task [dreg:s6], $0x5FFFF  }
0xac: {  	[dreg:$0x1] =	wrdreg $0xFFFFFFFF  }
0xad: {  	[dreg:$0x0] =	wrdreg $0x60  }
0xae: {  	[dreg:$0x2] =	wrdreg s24  }
0xaf: {  	[dreg:$0x3] =	wrdreg $0x9  }
0xb0: {  	_ =	task.clear_ibuf [dreg:s6], $0x4FFFF;
	_ =	strace $0x90000046  }
0xb1: {  	s29 =	simm.s32 $0x9;
	_ =	strace $0x80000048  }
0xb2: {  	_ =	swait.ge [sflag:s29], $0x1  }
0xb3: {  	[sflag:s29] =	ssyncadd.s32 $0xFFFFFFFF  }
0xb4: {  	_ =	strace $0x90000048  }
0xb5: {  	_ =	sfence  }
0xb6: {  	s30 =	sld [smem:$0x0];
	_ =	sdelay $0x2  }
0xb7: {  	s31 =	sshll.u32 s1, $0xD;
	s1 =	sshrl.u32 s1, $0x2  }
0xb8: {  	s3 =	sand.u32 $0x4000, s31;
	s1 =	sadd.s32 s1, s30  }
0xb9: {  	s0 =	sor.u32 s3, s0;
	s1 =	sshll.u32 s1, $0x11  }
0xba: {  	s0 =	sor.u32 s1, s0  }
0xbb: {  	s0 =	sadd.s32 $0x8F2B, s0  }
0xbc: {  	[sflag:s0] =	ssyncadd.remote.s32 $0x1  }
0xbd: {  	_ =	sfence.sel $0xFFFF  }
0xbe: {  	[dreg:$0x0] =	wrdreg $0xFFFFFFFF;
	(pc) =	sbr.abs _section_cstart, $3  }
0xbf: {  	[dreg:$0x1] =	wrdreg $0xFFFFFFFF  }
0xc0: {  	_ =	task.clear_ibuf [dreg:s6], $0x2FFFF;
	_ =	strace $0x9FFFFFFF  }
0xc1: {  	(tm) =	ssettm $0x7FFFFFFF  }
tec
execute0_lowered:
.L_overlay_start_1:
0x0: {  	(tag) =	ssettag $0x1  }
0x1: {  	s2 =	rddreg [dreg:$0x0]  }
0x2: {  	s0 =	rddreg [dreg:$0x1]  }
0x3: {  	s1 =	stileid.u32;
	s5 =	srdreg.scid  }
0x4: {  	s3 =	simm.s32 $0x0;
	s9 =	simm.s32 $0x880;
	s10 =	simm.s32 $0x1080  }
0x5: {  	s11 =	simm.s32 $0x1880;
	s12 =	simm.s32 $0x2080;
	s13 =	simm.s32 $0x2880  }
0x6: {  	s14 =	simm.s32 $0x3080;
	s15 =	simm.s32 $0x3880;
	s16 =	simm.s32 $0x4080  }
0x7: {  	s17 =	simm.s32 $0x4880;
	s18 =	simm.s32 $0x5080;
	s19 =	simm.s32 $0x5880  }
0x8: {  	s20 =	simm.s32 $0x6080;
	s21 =	simm.s32 $0x6880;
	s4 =	smul.u32 $0xC4, s1  }
0x9: {  	s22 =	simm.s32 $0x1;
	s5 =	sand.u32 $0x1, s5;
	s6 =	smul.u32 $0x62000, s1  }
0xa: {  	s23 =	simm.s32 $0x0;
	[smem:$0x7FF] =	sst s3;
	s7 =	smul.u32 $0x31000, s5  }
0xb: {  	_ =	strace $0x80000047;
	s8 =	ssub.s32 $0x2, s5;
	s5 =	smul.u32 $0x62, s5  }
0xc: {  	s4 =	sadd.s32 s4, s2;
	s31 =	sshrl.u32 s8, $0x1;
	s6 =	sadd.s32 s7, s6  }
0xd: {  	v2 =	vlaneseq.u32;
	s7 =	ssub.s32 s8, s31;
	s5 =	sadd.s32 s5, s4;
	s6 =	sshrl.u32 s6, $0x3  }
0xe: {  	vm0 =	vmmov $0xffff;
	v1 =	vshrl.u32 v2, $0x3;
	s8 =	simm.s32 $0x80;
	s4 =	smax.u32 s7, $0x1;
	s6 =	sadd.s32 s6, s2  }
0xf: {  	v0 =	vand.u32 $0x7, v2;
	v2 =	vor.u32 $0x8, v2;
	v1 =	vmul.u32 $0x8, v1;
	s5 =	sadd.s32 $0x6200, s5;
	s7 =	simm.s32 $0x2;
	s6 =	sadd.s32 $0x7000, s6  }
.LBB2_1:
0x10: {  	s24 =	smov.u32 s6;
	s25 =	smov.u32 s5;
	s26 =	simm.s32 $0x0  }
.LBB2_2:
0x11: {  	[tilespmem:s3], [sflag:$0x2] =	stream.linear.gather [hbm4b:s25+s3], $0x70, $0x38;
	[tilespmem:$0x7080] =	vst v63  }
0x12: {  	_ =	swait.ge [sflag:s7], $0x70  }
0x13: {  	[sflag:s7] =	ssyncset.done $0x0  }
0x14: {  	[sflag:s7] =	ssyncadd.s32 $0xFFFFFF90  }
0x15: {  	v3 =	vld [tilespmem:$0x0];
	_ =	sdelay $0x4  }
0x16: {  	v4 =	vshll.u32 v3, $0x1  }
0x17: {  	v3 =	vand.u32 $0x7, v3;
	v4 =	vand.u32 $0xFFFFFFF0, v4  }
0x18: {  	v3 =	vor.u32 v3, v4  }
0x19: {  	v4 =	vperm.xlane v3, v0;
	_ =	sdelay $0x1  }
0x1a: {  	v3 =	vperm.xlane v3, v2;
	v4 =	vadd.s32 v1, v4;
	_ =	sdelay $0x1  }
0x1b: {  	v3 =	vadd.s32 v1, v3;
	_ =	sdelay $0x2  }
0x1c: {  	[tilespmem:s8], [sflag:$0x1] =	stream.indirect_vreg.gather [hbm4b:s2+s3], $0x80, v4, vm0, $0xb8;
	[tilespmem:$0x7080] =	vst v63  }
0x1d: {  	_ = 	snop  }
0x1e: {  	[tilespmem:s9], [sflag:$0x1] =	stream.indirect_vreg.gather [hbm4b:s2+s3], $0x80, v3, vm0, $0xb8;
	[tilespmem:$0x7080] =	vst v63  }
0x1f: {  	v3 =	vld [tilespmem:$0x10];
	_ =	sdelay $0x4  }
0x20: {  	v58 =	vshll.u32 v3, $0x1  }
0x21: {  	v3 =	vand.u32 $0x7, v3;
	v4 =	vand.u32 $0xFFFFFFF0, v58  }
0x22: {  	v3 =	vor.u32 v3, v4  }
0x23: {  	v4 =	vperm.xlane v3, v0;
	_ =	sdelay $0x1  }
0x24: {  	v3 =	vperm.xlane v3, v2;
	v4 =	vadd.s32 v1, v4;
	_ =	sdelay $0x1  }
0x25: {  	v3 =	vadd.s32 v1, v3;
	_ =	sdelay $0x2  }
0x26: {  	[tilespmem:s10], [sflag:$0x1] =	stream.indirect_vreg.gather [hbm4b:s2+s3], $0x80, v4, vm0, $0xb8;
	[tilespmem:$0x7080] =	vst v63  }
0x27: {  	_ = 	snop  }
0x28: {  	[tilespmem:s11], [sflag:$0x1] =	stream.indirect_vreg.gather [hbm4b:s2+s3], $0x80, v3, vm0, $0xb8;
	[tilespmem:$0x7080] =	vst v63  }
0x29: {  	v3 =	vld [tilespmem:$0x20];
	_ =	sdelay $0x4  }
0x2a: {  	v59 =	vshll.u32 v3, $0x1  }
0x2b: {  	v3 =	vand.u32 $0x7, v3;
	v4 =	vand.u32 $0xFFFFFFF0, v59  }
0x2c: {  	v3 =	vor.u32 v3, v4  }
0x2d: {  	v4 =	vperm.xlane v3, v0;
	_ =	sdelay $0x1  }
0x2e: {  	v3 =	vperm.xlane v3, v2;
	v4 =	vadd.s32 v1, v4;
	_ =	sdelay $0x1  }
0x2f: {  	v3 =	vadd.s32 v1, v3;
	_ =	sdelay $0x2  }
0x30: {  	[tilespmem:s12], [sflag:$0x1] =	stream.indirect_vreg.gather [hbm4b:s2+s3], $0x80, v4, vm0, $0xb8;
	[tilespmem:$0x7080] =	vst v63  }
0x31: {  	_ = 	snop  }
0x32: {  	[tilespmem:s13], [sflag:$0x1] =	stream.indirect_vreg.gather [hbm4b:s2+s3], $0x80, v3, vm0, $0xb8;
	[tilespmem:$0x7080] =	vst v63  }
0x33: {  	v3 =	vld [tilespmem:$0x30];
	_ =	sdelay $0x4  }
0x34: {  	v60 =	vshll.u32 v3, $0x1  }
0x35: {  	v3 =	vand.u32 $0x7, v3;
	v4 =	vand.u32 $0xFFFFFFF0, v60  }
0x36: {  	v3 =	vor.u32 v3, v4  }
0x37: {  	v4 =	vperm.xlane v3, v0;
	_ =	sdelay $0x1  }
0x38: {  	v3 =	vperm.xlane v3, v2;
	v4 =	vadd.s32 v1, v4;
	_ =	sdelay $0x1  }
0x39: {  	v3 =	vadd.s32 v1, v3;
	_ =	sdelay $0x2  }
0x3a: {  	[tilespmem:s14], [sflag:$0x1] =	stream.indirect_vreg.gather [hbm4b:s2+s3], $0x80, v4, vm0, $0xb8;
	[tilespmem:$0x7080] =	vst v63  }
0x3b: {  	_ = 	snop  }
0x3c: {  	[tilespmem:s15], [sflag:$0x1] =	stream.indirect_vreg.gather [hbm4b:s2+s3], $0x80, v3, vm0, $0xb8;
	[tilespmem:$0x7080] =	vst v63  }
0x3d: {  	v3 =	vld [tilespmem:$0x40];
	_ =	sdelay $0x4  }
0x3e: {  	v61 =	vshll.u32 v3, $0x1  }
0x3f: {  	v3 =	vand.u32 $0x7, v3;
	v4 =	vand.u32 $0xFFFFFFF0, v61  }
0x40: {  	v3 =	vor.u32 v3, v4  }
0x41: {  	v4 =	vperm.xlane v3, v0;
	_ =	sdelay $0x1  }
0x42: {  	v3 =	vperm.xlane v3, v2;
	v4 =	vadd.s32 v1, v4;
	_ =	sdelay $0x1  }
0x43: {  	v3 =	vadd.s32 v1, v3;
	_ =	sdelay $0x2  }
0x44: {  	[tilespmem:s16], [sflag:$0x1] =	stream.indirect_vreg.gather [hbm4b:s2+s3], $0x80, v4, vm0, $0xb8;
	[tilespmem:$0x7080] =	vst v63  }
0x45: {  	_ = 	snop  }
0x46: {  	[tilespmem:s17], [sflag:$0x1] =	stream.indirect_vreg.gather [hbm4b:s2+s3], $0x80, v3, vm0, $0xb8;
	[tilespmem:$0x7080] =	vst v63  }
0x47: {  	v3 =	vld [tilespmem:$0x50];
	_ =	sdelay $0x4  }
0x48: {  	v62 =	vshll.u32 v3, $0x1  }
0x49: {  	v3 =	vand.u32 $0x7, v3;
	v4 =	vand.u32 $0xFFFFFFF0, v62  }
0x4a: {  	v3 =	vor.u32 v3, v4  }
0x4b: {  	v4 =	vperm.xlane v3, v0;
	_ =	sdelay $0x1  }
0x4c: {  	v3 =	vperm.xlane v3, v2;
	v4 =	vadd.s32 v1, v4;
	_ =	sdelay $0x1  }
0x4d: {  	v3 =	vadd.s32 v1, v3;
	_ =	sdelay $0x2  }
0x4e: {  	[tilespmem:s18], [sflag:$0x1] =	stream.indirect_vreg.gather [hbm4b:s2+s3], $0x80, v4, vm0, $0xb8;
	[tilespmem:$0x7080] =	vst v63  }
0x4f: {  	_ = 	snop  }
0x50: {  	[tilespmem:s19], [sflag:$0x1] =	stream.indirect_vreg.gather [hbm4b:s2+s3], $0x80, v3, vm0, $0xb8;
	[tilespmem:$0x7080] =	vst v63  }
0x51: {  	v3 =	vld [tilespmem:$0x60];
	_ =	sdelay $0x4  }
0x52: {  	v63 =	vshll.u32 v3, $0x1  }
0x53: {  	v3 =	vand.u32 $0x7, v3;
	v4 =	vand.u32 $0xFFFFFFF0, v63  }
0x54: {  	v3 =	vor.u32 v3, v4  }
0x55: {  	v4 =	vperm.xlane v3, v0;
	_ =	sdelay $0x1  }
0x56: {  	v3 =	vperm.xlane v3, v2;
	v4 =	vadd.s32 v1, v4;
	_ =	sdelay $0x1  }
0x57: {  	v3 =	vadd.s32 v1, v3;
	_ =	sdelay $0x2  }
0x58: {  	[tilespmem:s20], [sflag:$0x1] =	stream.indirect_vreg.gather [hbm4b:s2+s3], $0x80, v4, vm0, $0xb8;
	[tilespmem:$0x7080] =	vst v63  }
0x59: {  	_ = 	snop  }
0x5a: {  	[tilespmem:s21], [sflag:$0x1] =	stream.indirect_vreg.gather [hbm4b:s2+s3], $0x80, v3, vm0, $0xb8;
	[tilespmem:$0x7080] =	vst v63  }
0x5b: {  	_ =	swait.ge [sflag:s22], $0x7000  }
0x5c: {  	p0 =	sne.s32 s26, $0x6;
	[sflag:s22] =	ssyncset.done $0x0  }
.Ltmp0:
0x5d: {  	[sflag:s22] =	ssyncadd.s32 $0xFFFF9000;
	(pc) =	sbr.rel @p0 .LBB2_2-.Ltmp0, $4  }
0x5e: {  	[hbm4b:s24+s3] =	stream.linear.scatter [tilespmem:s8], [sflag:$0x2], $0x7000, $0x38;
	[tilespmem:$0x7080] =	vst v63  }
0x5f: {  	_ =	swait.ge [sflag:s7], $0x7000  }
0x60: {  	s25 =	sadd.s32 $0xE, s25;
	[sflag:s7] =	ssyncset.done $0x0  }
0x61: {  	s26 =	sadd.s32 $0x1, s26;
	s24 =	sadd.s32 $0xE00, s24;
	[sflag:s7] =	ssyncadd.s32 $0xFFFF9000  }
0x62: {  	s23 =	sadd.s32 $0x1, s23  }
0x63: {  	p0 =	sne.s32 s23, s4  }
.Ltmp1:
0x64: {  	_ = 	snop;
	(pc) =	sbr.rel @p0 .LBB2_1-.Ltmp1, $1  }
0x65: {  	_ =	sdelay $0x3  }
0x66: {  	_ =	sfence.sel $0x180000  }
0x67: {  	[bflag:$0x0] =	sbarrier.arrive $0xFFFF  }
0x68: {  	p0 =	sne.s32 s1, $0x0;
	_ =	strace $0x90000047  }
0x69: {  	s0 =	sadd.s32 @!p0 $0x100000, s0;
	[bflag:$0x2] =	sbarrier.arrive $0xFFFF  }
0x6a: {  	[sflag:s0] =	ssyncadd.tile.s32 @!p0 $0x1;
	_ =	shalt  }
.Lfunc_end2:
_tile_overlayer_lowered:
.L_overlay_start_2:
0x6b: {  	(tag) =	ssettag $0x2  }
0x6c: {  	s0 =	rddreg [dreg:$0x0];
	s2 =	stileid.u32  }
0x6d: {  	s1 =	rddreg [dreg:$0x1];
	p0 =	sne.s32 s2, $0x0  }
0x6e: {  	s3 =	rddreg [dreg:$0x2];
	[bflag:$0x3] =	sbarrier.arrive $0xFFFF;
	s2 =	simm.s32 @!p0 $0x1C02  }
0x6f: {  	[timem:s3], [sflag:s2] =	dma.local @!p0 [hbm:s0], s1  }
0x70: {  	s0 =	simm.s32 @!p0 $0x2  }
0x71: {  	_ =	swait.ge @!p0 [sflag:s0], s1  }
0x72: {  	s1 =	ssub.s32 @!p0 $0x0, s1;
	[sflag:s0] =	ssyncset.done @!p0 $0x0  }
0x73: {  	[sflag:s0] =	ssyncadd.s32 @!p0 s1  }
0x74: {  	[bflag:$0x3] =	sbarrier.arrive $0xFFFF  }
0x75: {  	_ =	shalt  }

// kernel: kernel.13.cloned.1.call-start
scs
__scs_entry_jumppad:
0x0: {  	(pc) =	sbr.rel $0x88, $3  }
0x1: {  	(tag) =	ssettag $0x0;
	lr =	simm.s32 $0x1  }
0x2: {  	[smem:$0x3F9F] =	sst lr;
	_ =	strace $0xD0000000  }
0x3: {  	_ = 	snop  }
0x4: {  	_ = 	snop  }
0x5: {  	_ = 	snop  }
0x6: {  	_ = 	snop  }
0x7: {  	_ = 	snop  }
__scs_overlays_trampoline_lowered:
0x8: {  	[smem:$0x3FAE] =	sst s0  }
0x9: {  	[smem:$0x3FAF] =	sst s1  }
0xa: {  	[smem:$0x3FB0] =	sst s2  }
0xb: {  	[smem:$0x3FB1] =	sst s3  }
0xc: {  	[smem:$0x3FB2] =	sst s4  }
0xd: {  	[smem:$0x3FB3] =	sst s5  }
0xe: {  	[smem:$0x3FB4] =	sst s6  }
0xf: {  	[smem:$0x3FB5] =	sst s7  }
0x10: {  	[smem:$0x3FB6] =	sst s8  }
0x11: {  	[smem:$0x3FB7] =	sst s9;
	s0 =	simm.s32 @!p0 $0x0  }
0x12: {  	s1 =	sld [smem:$0x3F9D];
	s0 =	simm.s32 @p0 $0x1  }
0x13: {  	[smem:$0x3FB8] =	sst s0;
	s0 =	simm.s32 @!p1 $0x0  }
0x14: {  	s2 =	sld [smem:$0x3F9C];
	s0 =	simm.s32 @p1 $0x1  }
0x15: {  	[smem:$0x3FB9] =	sst s0;
	s0 =	simm.s32 @!p2 $0x0  }
0x16: {  	s3 =	sld [smem:$0x3FDB];
	s0 =	simm.s32 @p2 $0x1  }
0x17: {  	s4 =	simm.s32 $0x1BF5;
	[smem:$0x3FBB] =	sst s0  }
0x18: {  	s0 =	sld [smem:$0x3F9E];
	_ =	swait.ge [sflag:s4], $0x0  }
0x19: {  	s7 =	sld [smem:$0x3F9F]  }
0x1a: {  	s8 =	sadd.s32 $0xFFFFE003, lr  }
0x1b: {  	s9 =	sadd.s32 $0xFFFFFEF7, lr;
	s5 =	simm.s32 $0xFFFFFFFF;
	p2 =	slt.u32 s8, $0xFFFFF086  }
0x1c: {  	p1 =	slt.u32 s9, $0xF7A;
	s5 =	simm.s32 @!p2 $0x0  }
0x1d: {  	s5 =	simm.s32 @p1 $0x1;
	p0 =	seq.s32 s7, s2  }
0x1e: {  	s7 =	smul.u32 @!p0 $0xF7A, s2;
	p2 =	seq.s32 @!p0 s5, $0x0  }
0x1f: {  	s9 =	smul.u32 $0xF7A, s1;
	s8 =	simm.s32 @!p0 $0x1BF5;
	p2 =	por !p2, p0  }
0x20: {  	[sflag:s8] =	ssyncset.s32 @!p0 $0xFFFFF086;
	s6 =	sadd.s32 @!p0 s3, s7;
	s7 =	simm.s32 @!p0 $0x108  }
0x21: {  	s3 =	sadd.s32 s3, s9;
	s6 =	sadd.s32 @!p0 $0x88, s6;
	s7 =	simm.s32 @p2 $0x1082  }
0x22: {  	[simem:s7], [sflag:s8] =	dma.local @!p0 [hbm:s6], $0xF7A  }
0x23: {  	s9 =	sor.u32 $0xD0000000, s2;
	s6 =	simm.s32 $0x108;
	_ =	swait.ge @!p0 [sflag:s8], $0x0  }
0x24: {  	s3 =	sadd.s32 $0x88, s3;
	s6 =	simm.s32 @!p1 $0x1082;
	[sflag:s4] =	ssyncset.s32 $0xFFFFF086  }
0x25: {  	[simem:s6], [sflag:s4] =	dma.local [hbm:s3], $0xF7A  }
0x26: {  	[smem:$0x3F9F] =	sst s1;
	(tag) =	ssettag s2;
	_ =	strace s9  }
0x27: {  	s1 =	sld [smem:$0x3FAF]  }
0x28: {  	s2 =	sld [smem:$0x3FB0]  }
0x29: {  	s4 =	sld [smem:$0x3FB2]  }
0x2a: {  	p0 =	seq.s32 s5, $0x0;
	s5 =	sld [smem:$0x3FB3]  }
0x2b: {  	s6 =	sld [smem:$0x3FB4]  }
0x2c: {  	s7 =	sld [smem:$0x3FB5]  }
0x2d: {  	s3 =	simm.s32 $0x108;
	s8 =	sld [smem:$0x3FB6]  }
0x2e: {  	s3 =	simm.s32 @!p0 $0x1082;
	s9 =	sld [smem:$0x3FB7]  }
0x2f: {  	lr =	sadd.s32 s0, s3;
	s0 =	sld [smem:$0x3FAE]  }
0x30: {  	s3 =	sld [smem:$0x3FB1]  }
0x31: {  	[smem:$0x3FBA] =	sst s10  }
0x32: {  	s10 =	sld [smem:$0x3FB8];
	_ =	sdelay $0x3  }
0x33: {  	p0 =	seq.s32 s10, $0x1;
	s10 =	sld [smem:$0x3FBA];
	_ =	sdelay $0x3  }
0x34: {  	[smem:$0x3FBA] =	sst s10  }
0x35: {  	s10 =	sld [smem:$0x3FB9];
	_ =	sdelay $0x3  }
0x36: {  	p1 =	seq.s32 s10, $0x1;
	s10 =	sld [smem:$0x3FBA];
	_ =	sdelay $0x3  }
0x37: {  	[smem:$0x3FBA] =	sst s10  }
0x38: {  	s10 =	sld [smem:$0x3FBB]  }
0x39: {  	_ = 	snop;
	(pc) =	sbr.ind lr, $3  }
0x3a: {  	_ = 	snop  }
0x3b: {  	_ = 	snop  }
0x3c: {  	p2 =	seq.s32 s10, $0x1;
	s10 =	sld [smem:$0x3FBA]  }
0x3d: {  	_ =	shalt  }
0x3e: {  	_ =	shalt  }
0x3f: {  	_ =	shalt  }
0x40: {  	_ =	shalt  }
0x41: {  	_ =	shalt  }
0x42: {  	_ =	shalt  }
0x43: {  	_ =	shalt  }
0x44: {  	_ =	shalt  }
0x45: {  	_ =	shalt  }
0x46: {  	_ =	shalt  }
0x47: {  	_ =	shalt  }
0x48: {  	_ =	shalt  }
0x49: {  	_ =	shalt  }
0x4a: {  	_ =	shalt  }
0x4b: {  	_ =	shalt  }
0x4c: {  	_ =	shalt  }
0x4d: {  	_ =	shalt  }
0x4e: {  	_ =	shalt  }
0x4f: {  	_ =	shalt  }
0x50: {  	_ =	shalt  }
0x51: {  	_ =	shalt  }
0x52: {  	_ =	shalt  }
0x53: {  	_ =	shalt  }
0x54: {  	_ =	shalt  }
0x55: {  	_ =	shalt  }
0x56: {  	_ =	shalt  }
0x57: {  	_ =	shalt  }
0x58: {  	_ =	shalt  }
0x59: {  	_ =	shalt  }
0x5a: {  	_ =	shalt  }
0x5b: {  	_ =	shalt  }
0x5c: {  	_ =	shalt  }
0x5d: {  	_ =	shalt  }
0x5e: {  	_ =	shalt  }
0x5f: {  	_ =	shalt  }
0x60: {  	_ =	shalt  }
0x61: {  	_ =	shalt  }
0x62: {  	_ =	shalt  }
0x63: {  	_ =	shalt  }
0x64: {  	_ =	shalt  }
0x65: {  	_ =	shalt  }
0x66: {  	_ =	shalt  }
0x67: {  	_ =	shalt  }
0x68: {  	_ =	shalt  }
0x69: {  	_ =	shalt  }
0x6a: {  	_ =	shalt  }
0x6b: {  	_ =	shalt  }
0x6c: {  	_ =	shalt  }
0x6d: {  	_ =	shalt  }
0x6e: {  	_ =	shalt  }
0x6f: {  	_ =	shalt  }
0x70: {  	_ =	shalt  }
0x71: {  	_ =	shalt  }
0x72: {  	_ =	shalt  }
0x73: {  	_ =	shalt  }
0x74: {  	_ =	shalt  }
0x75: {  	_ =	shalt  }
0x76: {  	_ =	shalt  }
0x77: {  	_ =	shalt  }
0x78: {  	_ =	shalt  }
0x79: {  	_ =	shalt  }
0x7a: {  	_ =	shalt  }
0x7b: {  	_ =	shalt  }
0x7c: {  	_ =	shalt  }
0x7d: {  	_ =	shalt  }
0x7e: {  	_ =	shalt  }
0x7f: {  	_ =	shalt  }
0x80: {  	_ =	shalt  }
0x81: {  	_ =	shalt  }
0x82: {  	_ =	shalt  }
0x83: {  	_ =	shalt  }
0x84: {  	_ =	shalt  }
0x85: {  	_ =	shalt  }
0x86: {  	_ =	shalt  }
0x87: {  	_ =	shalt  }
.Lfunc_end0:
.L_simem_size_0:
called_computation.1_lowered:
.L_overlay_start_0:
0x88: {  	s2 =	sld [smem:$0x3FD9]  }
0x89: {  	s3 =	sld [smem:$0x3FFE];
	_ =	sdelay $0x1  }
0x8a: {  	s1 =	srdreg.scid  }
0x8b: {  	s0 =	sand.u32 $0x1, s1  }
0x8c: {  	s17 =	sshll.u32 s0, $0xA;
	s2 =	sadd.s32 s3, s2  }
0x8d: {  	s2 =	sadd.s32 s2, s17  }
0x8e: {  	[smem:$0x3FC6] =	sst s2  }
0x8f: {  	_ = 	snop  }
0x90: {  	(tm) =	ssettm $0x1  }
0x91: {  	s18 =	sld [smem:$0x3FFB];
	_ =	sdelay $0x3  }
0x92: {  	_ =	strace s18  }
0x93: {  	s2 =	sld [smem:$0x3FFC];
	_ =	sdelay $0x3  }
0x94: {  	_ =	strace s2  }
0x95: {  	s2 =	sld [smem:$0x3FFD];
	_ =	sdelay $0x3  }
0x96: {  	_ =	strace s2  }
0x97: {  	_ =	strace $0x8FFFFFFF  }
0x98: {  	s19 =	sld [smem:$0x3FDB];
	_ =	sdelay $0x1  }
0x99: {  	s20 =	simm.s32 $_scs_section_size  }
0x9a: {  	s4 =	simm.s32 $_size__tile_overlayer_lowered;
	s5 =	simm.s32 $_tile_overlayer_lowered  }
0x9b: {  	s6 =	simm.s32 $0x1BFF;
	s21 =	sshll.u32 s5, $0x1;
	s3 =	sadd.s32 s20, s19  }
0x9c: {  	s22 =	simm.s32 $0x0;
	s4 =	sshll.u32 s4, $0x1;
	s5 =	sadd.s32 s21, s3  }
0x9d: {  	[timem:s22], [sflag:s6] =	dma.local [hbm:s5], s4  }
0x9e: {  	_ =	swait.ge [sflag:s6], s4  }
0x9f: {  	s4 =	ssub.s32 $0x0, s4;
	[sflag:s6] =	ssyncset.done $0x0  }
0xa0: {  	[sflag:s6] =	ssyncadd.s32 s4;
	_ =	sdelay $0x1  }
0xa1: {  	s23 =	simm.s32 $0x1B8B  }
0xa2: {  	_ =	swait.ge [sflag:s23], $0x1  }
0xa3: {  	[sflag:s23] =	ssyncset.done $0x0  }
0xa4: {  	[sflag:s23] =	ssyncadd.s32 $0xFFFFFFFF  }
0xa5: {  	s4 =	sld [smem:$0x0]  }
0xa6: {  	s5 =	sand.u32 $0xFFFFFFFE, s1  }
0xa7: {  	p0 =	sne.s32 s1, s5  }
0xa8: {  	s5 =	sshll.u32 @p0 s5, $0xE  }
0xa9: {  	s5 =	sadd.s32 @p0 $0x11B8D, s5;
	s6 =	sshll.u32 @p0 s4, $0x11  }
0xaa: {  	s5 =	sor.u32 @p0 s6, s5  }
0xab: {  	[sflag:s5] =	ssyncadd.remote.s32 @p0 $0x1;
	_ =	sdelay $0x1  }
0xac: {  	s5 =	simm.s32 @p0 $0x1B8D  }
0xad: {  	_ =	swait.eq @p0 [sflag:s5], $0x1  }
0xae: {  	[sflag:s5] =	ssyncadd.s32 @p0 $0xFFFFFFFF  }
0xaf: {  	s6 =	sshll.u32 @!p0 s1, $0xE  }
0xb0: {  	s6 =	sor.u32 @!p0 $0x4000, s6;
	s5 =	simm.s32 @!p0 $0x1B8D  }
0xb1: {  	s4 =	sshll.u32 @!p0 s4, $0x11;
	s6 =	sadd.s32 @!p0 $0x11B8D, s6;
	_ =	swait.eq @!p0 [sflag:s5], $0x1  }
0xb2: {  	s4 =	sor.u32 @!p0 s4, s6;
	[sflag:s5] =	ssyncadd.s32 @!p0 $0xFFFFFFFF  }
0xb3: {  	s25 =	simm.s32 $0x1B8E;
	s24 =	sld [smem:$0x3FFE];
	[sflag:s4] =	ssyncadd.remote.s32 @!p0 $0x1  }
0xb4: {  	s26 =	simm.s32 $execute0_lowered;
	[smem:$0x3FD2] =	sst s25  }
0xb5: {  	s5 =	sshll.u32 s26, $0x1;
	_ =	strace $0x8000004C;
	[dreg:$0x1] =	wrdreg $0xFFFFFFFF  }
0xb6: {  	s28 =	simm.s32 $_size_execute0_lowered;
	s3 =	sadd.s32 s3, s5;
	[dreg:$0x0] =	wrdreg $0x0  }
0xb7: {  	s5 =	sshll.u32 s28, $0x1;
	[dreg:$0x2] =	wrdreg s3  }
0xb8: {  	[dreg:$0x3] =	wrdreg s5  }
0xb9: {  	[dreg:$0x4] =	wrdreg $0xC0  }
0xba: {  	_ =	task [dreg:s22], $0x5FFFF  }
0xbb: {  	[dreg:$0x1] =	wrdreg $0xFFFFFFFF  }
0xbc: {  	[dreg:$0x0] =	wrdreg $0x60  }
0xbd: {  	[dreg:$0x2] =	wrdreg s24  }
0xbe: {  	[dreg:$0x3] =	wrdreg $0xA  }
0xbf: {  	_ =	task.clear_ibuf [dreg:s22], $0x4FFFF;
	_ =	strace $0x9000004C  }
0xc0: {  	s29 =	simm.s32 $0xA;
	_ =	strace $0x8000004E  }
0xc1: {  	_ =	swait.ge [sflag:s29], $0x1  }
0xc2: {  	[sflag:s29] =	ssyncadd.s32 $0xFFFFFFFF  }
0xc3: {  	_ =	strace $0x9000004E  }
0xc4: {  	_ =	sfence  }
0xc5: {  	s30 =	sld [smem:$0x0];
	_ =	sdelay $0x2  }
0xc6: {  	s31 =	sshll.u32 s1, $0xD;
	s1 =	sshrl.u32 s1, $0x2  }
0xc7: {  	s4 =	sand.u32 $0x4000, s31;
	s1 =	sadd.s32 s1, s30  }
0xc8: {  	s0 =	sor.u32 s4, s0;
	s1 =	sshll.u32 s1, $0x11  }
0xc9: {  	s0 =	sor.u32 s1, s0  }
0xca: {  	s0 =	sadd.s32 $0x8F2B, s0  }
0xcb: {  	[sflag:s0] =	ssyncadd.remote.s32 $0x1  }
0xcc: {  	_ =	sfence.sel $0xFFFF  }
0xcd: {  	[dreg:$0x0] =	wrdreg $0xFFFFFFFF;
	(pc) =	sbr.abs _section_cstart, $3  }
0xce: {  	[dreg:$0x1] =	wrdreg $0xFFFFFFFF  }
0xcf: {  	_ =	task.clear_ibuf [dreg:s22], $0x2FFFF;
	_ =	strace $0x9FFFFFFF  }
0xd0: {  	(tm) =	ssettm $0x7FFFFFFF  }
0xd1: {  	_ =	shalt  }
tec
execute0_lowered:
.L_overlay_start_1:
0x0: {  	(tag) =	ssettag $0x1  }
0x1: {  	s2 =	rddreg [dreg:$0x0]  }
0x2: {  	s0 =	rddreg [dreg:$0x1]  }
0x3: {  	s1 =	stileid.u32;
	s5 =	srdreg.scid  }
0x4: {  	s3 =	simm.s32 $0x0;
	s9 =	simm.s32 $0x880;
	s10 =	simm.s32 $0x1080  }
0x5: {  	s11 =	simm.s32 $0x1880;
	s12 =	simm.s32 $0x2080;
	s13 =	simm.s32 $0x2880  }
0x6: {  	s14 =	simm.s32 $0x3080;
	s15 =	simm.s32 $0x3880;
	s16 =	simm.s32 $0x4080  }
0x7: {  	s17 =	simm.s32 $0x4880;
	s18 =	simm.s32 $0x5080;
	s19 =	simm.s32 $0x5880  }
0x8: {  	s20 =	simm.s32 $0x6080;
	s21 =	simm.s32 $0x6880;
	s4 =	smul.u32 $0xC4, s1  }
0x9: {  	s22 =	simm.s32 $0x1;
	s5 =	sand.u32 $0x1, s5;
	s6 =	smul.u32 $0x62000, s1  }
0xa: {  	s23 =	simm.s32 $0x0;
	[smem:$0x7FF] =	sst s3;
	s7 =	smul.u32 $0x31000, s5  }
0xb: {  	_ =	strace $0x8000004D;
	s8 =	ssub.s32 $0x2, s5;
	s5 =	smul.u32 $0x62, s5  }
0xc: {  	s4 =	sadd.s32 s4, s2;
	s31 =	sshrl.u32 s8, $0x1;
	s6 =	sadd.s32 s7, s6  }
0xd: {  	v2 =	vlaneseq.u32;
	s7 =	ssub.s32 s8, s31;
	s5 =	sadd.s32 s5, s4;
	s6 =	sshrl.u32 s6, $0x3  }
0xe: {  	vm0 =	vmmov $0xffff;
	v1 =	vshrl.u32 v2, $0x3;
	s8 =	simm.s32 $0x80;
	s4 =	smax.u32 s7, $0x1;
	s6 =	sadd.s32 s6, s2  }
0xf: {  	v0 =	vand.u32 $0x7, v2;
	v2 =	vor.u32 $0x8, v2;
	v1 =	vmul.u32 $0x8, v1;
	s5 =	sadd.s32 $0x18FE00, s5;
	s7 =	simm.s32 $0x2;
	s6 =	sadd.s32 $0x190C00, s6  }
.LBB2_1:
0x10: {  	s24 =	smov.u32 s6;
	s25 =	smov.u32 s5;
	s26 =	simm.s32 $0x0  }
.LBB2_2:
0x11: {  	[tilespmem:s3], [sflag:$0x2] =	stream.linear.gather [hbm4b:s25+s3], $0x70, $0x38;
	[tilespmem:$0x7080] =	vst v63  }
0x12: {  	_ =	swait.ge [sflag:s7], $0x70  }
0x13: {  	[sflag:s7] =	ssyncset.done $0x0  }
0x14: {  	[sflag:s7] =	ssyncadd.s32 $0xFFFFFF90  }
0x15: {  	v3 =	vld [tilespmem:$0x0];
	_ =	sdelay $0x4  }
0x16: {  	v4 =	vshll.u32 v3, $0x1  }
0x17: {  	v3 =	vand.u32 $0x7, v3;
	v4 =	vand.u32 $0xFFFFFFF0, v4  }
0x18: {  	v3 =	vor.u32 v3, v4  }
0x19: {  	v4 =	vperm.xlane v3, v0;
	_ =	sdelay $0x1  }
0x1a: {  	v3 =	vperm.xlane v3, v2;
	v4 =	vadd.s32 v1, v4;
	_ =	sdelay $0x1  }
0x1b: {  	v3 =	vadd.s32 v1, v3;
	_ =	sdelay $0x2  }
0x1c: {  	[tilespmem:s8], [sflag:$0x1] =	stream.indirect_vreg.gather [hbm4b:s2+s3], $0x80, v4, vm0, $0xb8;
	[tilespmem:$0x7080] =	vst v63  }
0x1d: {  	_ = 	snop  }
0x1e: {  	[tilespmem:s9], [sflag:$0x1] =	stream.indirect_vreg.gather [hbm4b:s2+s3], $0x80, v3, vm0, $0xb8;
	[tilespmem:$0x7080] =	vst v63  }
0x1f: {  	v3 =	vld [tilespmem:$0x10];
	_ =	sdelay $0x4  }
0x20: {  	v58 =	vshll.u32 v3, $0x1  }
0x21: {  	v3 =	vand.u32 $0x7, v3;
	v4 =	vand.u32 $0xFFFFFFF0, v58  }
0x22: {  	v3 =	vor.u32 v3, v4  }
0x23: {  	v4 =	vperm.xlane v3, v0;
	_ =	sdelay $0x1  }
0x24: {  	v3 =	vperm.xlane v3, v2;
	v4 =	vadd.s32 v1, v4;
	_ =	sdelay $0x1  }
0x25: {  	v3 =	vadd.s32 v1, v3;
	_ =	sdelay $0x2  }
0x26: {  	[tilespmem:s10], [sflag:$0x1] =	stream.indirect_vreg.gather [hbm4b:s2+s3], $0x80, v4, vm0, $0xb8;
	[tilespmem:$0x7080] =	vst v63  }
0x27: {  	_ = 	snop  }
0x28: {  	[tilespmem:s11], [sflag:$0x1] =	stream.indirect_vreg.gather [hbm4b:s2+s3], $0x80, v3, vm0, $0xb8;
	[tilespmem:$0x7080] =	vst v63  }
0x29: {  	v3 =	vld [tilespmem:$0x20];
	_ =	sdelay $0x4  }
0x2a: {  	v59 =	vshll.u32 v3, $0x1  }
0x2b: {  	v3 =	vand.u32 $0x7, v3;
	v4 =	vand.u32 $0xFFFFFFF0, v59  }
0x2c: {  	v3 =	vor.u32 v3, v4  }
0x2d: {  	v4 =	vperm.xlane v3, v0;
	_ =	sdelay $0x1  }
0x2e: {  	v3 =	vperm.xlane v3, v2;
	v4 =	vadd.s32 v1, v4;
	_ =	sdelay $0x1  }
0x2f: {  	v3 =	vadd.s32 v1, v3;
	_ =	sdelay $0x2  }
0x30: {  	[tilespmem:s12], [sflag:$0x1] =	stream.indirect_vreg.gather [hbm4b:s2+s3], $0x80, v4, vm0, $0xb8;
	[tilespmem:$0x7080] =	vst v63  }
0x31: {  	_ = 	snop  }
0x32: {  	[tilespmem:s13], [sflag:$0x1] =	stream.indirect_vreg.gather [hbm4b:s2+s3], $0x80, v3, vm0, $0xb8;
	[tilespmem:$0x7080] =	vst v63  }
0x33: {  	v3 =	vld [tilespmem:$0x30];
	_ =	sdelay $0x4  }
0x34: {  	v60 =	vshll.u32 v3, $0x1  }
0x35: {  	v3 =	vand.u32 $0x7, v3;
	v4 =	vand.u32 $0xFFFFFFF0, v60  }
0x36: {  	v3 =	vor.u32 v3, v4  }
0x37: {  	v4 =	vperm.xlane v3, v0;
	_ =	sdelay $0x1  }
0x38: {  	v3 =	vperm.xlane v3, v2;
	v4 =	vadd.s32 v1, v4;
	_ =	sdelay $0x1  }
0x39: {  	v3 =	vadd.s32 v1, v3;
	_ =	sdelay $0x2  }
0x3a: {  	[tilespmem:s14], [sflag:$0x1] =	stream.indirect_vreg.gather [hbm4b:s2+s3], $0x80, v4, vm0, $0xb8;
	[tilespmem:$0x7080] =	vst v63  }
0x3b: {  	_ = 	snop  }
0x3c: {  	[tilespmem:s15], [sflag:$0x1] =	stream.indirect_vreg.gather [hbm4b:s2+s3], $0x80, v3, vm0, $0xb8;
	[tilespmem:$0x7080] =	vst v63  }
0x3d: {  	v3 =	vld [tilespmem:$0x40];
	_ =	sdelay $0x4  }
0x3e: {  	v61 =	vshll.u32 v3, $0x1  }
0x3f: {  	v3 =	vand.u32 $0x7, v3;
	v4 =	vand.u32 $0xFFFFFFF0, v61  }
0x40: {  	v3 =	vor.u32 v3, v4  }
0x41: {  	v4 =	vperm.xlane v3, v0;
	_ =	sdelay $0x1  }
0x42: {  	v3 =	vperm.xlane v3, v2;
	v4 =	vadd.s32 v1, v4;
	_ =	sdelay $0x1  }
0x43: {  	v3 =	vadd.s32 v1, v3;
	_ =	sdelay $0x2  }
0x44: {  	[tilespmem:s16], [sflag:$0x1] =	stream.indirect_vreg.gather [hbm4b:s2+s3], $0x80, v4, vm0, $0xb8;
	[tilespmem:$0x7080] =	vst v63  }
0x45: {  	_ = 	snop  }
0x46: {  	[tilespmem:s17], [sflag:$0x1] =	stream.indirect_vreg.gather [hbm4b:s2+s3], $0x80, v3, vm0, $0xb8;
	[tilespmem:$0x7080] =	vst v63  }
0x47: {  	v3 =	vld [tilespmem:$0x50];
	_ =	sdelay $0x4  }
0x48: {  	v62 =	vshll.u32 v3, $0x1  }
0x49: {  	v3 =	vand.u32 $0x7, v3;
	v4 =	vand.u32 $0xFFFFFFF0, v62  }
0x4a: {  	v3 =	vor.u32 v3, v4  }
0x4b: {  	v4 =	vperm.xlane v3, v0;
	_ =	sdelay $0x1  }
0x4c: {  	v3 =	vperm.xlane v3, v2;
	v4 =	vadd.s32 v1, v4;
	_ =	sdelay $0x1  }
0x4d: {  	v3 =	vadd.s32 v1, v3;
	_ =	sdelay $0x2  }
0x4e: {  	[tilespmem:s18], [sflag:$0x1] =	stream.indirect_vreg.gather [hbm4b:s2+s3], $0x80, v4, vm0, $0xb8;
	[tilespmem:$0x7080] =	vst v63  }
0x4f: {  	_ = 	snop  }
0x50: {  	[tilespmem:s19], [sflag:$0x1] =	stream.indirect_vreg.gather [hbm4b:s2+s3], $0x80, v3, vm0, $0xb8;
	[tilespmem:$0x7080] =	vst v63  }
0x51: {  	v3 =	vld [tilespmem:$0x60];
	_ =	sdelay $0x4  }
0x52: {  	v63 =	vshll.u32 v3, $0x1  }
0x53: {  	v3 =	vand.u32 $0x7, v3;
	v4 =	vand.u32 $0xFFFFFFF0, v63  }
0x54: {  	v3 =	vor.u32 v3, v4  }
0x55: {  	v4 =	vperm.xlane v3, v0;
	_ =	sdelay $0x1  }
0x56: {  	v3 =	vperm.xlane v3, v2;
	v4 =	vadd.s32 v1, v4;
	_ =	sdelay $0x1  }
0x57: {  	v3 =	vadd.s32 v1, v3;
	_ =	sdelay $0x2  }
0x58: {  	[tilespmem:s20], [sflag:$0x1] =	stream.indirect_vreg.gather [hbm4b:s2+s3], $0x80, v4, vm0, $0xb8;
	[tilespmem:$0x7080] =	vst v63  }
0x59: {  	_ = 	snop  }
0x5a: {  	[tilespmem:s21], [sflag:$0x1] =	stream.indirect_vreg.gather [hbm4b:s2+s3], $0x80, v3, vm0, $0xb8;
	[tilespmem:$0x7080] =	vst v63  }
0x5b: {  	_ =	swait.ge [sflag:s22], $0x7000  }
0x5c: {  	p0 =	sne.s32 s26, $0x6;
	[sflag:s22] =	ssyncset.done $0x0  }
.Ltmp0:
0x5d: {  	[sflag:s22] =	ssyncadd.s32 $0xFFFF9000;
	(pc) =	sbr.rel @p0 .LBB2_2-.Ltmp0, $4  }
0x5e: {  	[hbm4b:s24+s3] =	stream.linear.scatter [tilespmem:s8], [sflag:$0x2], $0x7000, $0x38;
	[tilespmem:$0x7080] =	vst v63  }
0x5f: {  	_ =	swait.ge [sflag:s7], $0x7000  }
0x60: {  	s25 =	sadd.s32 $0xE, s25;
	[sflag:s7] =	ssyncset.done $0x0  }
0x61: {  	s26 =	sadd.s32 $0x1, s26;
	s24 =	sadd.s32 $0xE00, s24;
	[sflag:s7] =	ssyncadd.s32 $0xFFFF9000  }
0x62: {  	s23 =	sadd.s32 $0x1, s23  }
0x63: {  	p0 =	sne.s32 s23, s4  }
.Ltmp1:
0x64: {  	_ = 	snop;
	(pc) =	sbr.rel @p0 .LBB2_1-.Ltmp1, $1  }
0x65: {  	_ =	sdelay $0x3  }
0x66: {  	_ =	sfence.sel $0x180000  }
0x67: {  	[bflag:$0x0] =	sbarrier.arrive $0xFFFF  }
0x68: {  	p0 =	sne.s32 s1, $0x0;
	_ =	strace $0x9000004D  }
0x69: {  	s0 =	sadd.s32 @!p0 $0x100000, s0;
	[bflag:$0x2] =	sbarrier.arrive $0xFFFF  }
0x6a: {  	[sflag:s0] =	ssyncadd.tile.s32 @!p0 $0x1;
	_ =	shalt  }
.Lfunc_end2:
_tile_overlayer_lowered:
.L_overlay_start_2:
0x6b: {  	(tag) =	ssettag $0x2  }
0x6c: {  	s0 =	rddreg [dreg:$0x0];
	s2 =	stileid.u32  }
0x6d: {  	s1 =	rddreg [dreg:$0x1];
	p0 =	sne.s32 s2, $0x0  }
0x6e: {  	s3 =	rddreg [dreg:$0x2];
	[bflag:$0x3] =	sbarrier.arrive $0xFFFF;
	s2 =	simm.s32 @!p0 $0x1C02  }
0x6f: {  	[timem:s3], [sflag:s2] =	dma.local @!p0 [hbm:s0], s1  }
0x70: {  	s0 =	simm.s32 @!p0 $0x2  }
0x71: {  	_ =	swait.ge @!p0 [sflag:s0], s1  }
0x72: {  	s1 =	ssub.s32 @!p0 $0x0, s1;
	[sflag:s0] =	ssyncset.done @!p0 $0x0  }
0x73: {  	[sflag:s0] =	ssyncadd.s32 @!p0 s1  }
0x74: {  	[bflag:$0x3] =	sbarrier.arrive $0xFFFF  }
0x75: {  	_ =	shalt  }

// kernel: kernel.16.cloned.1.call-start
scs
__scs_entry_jumppad:
0x0: {  	(pc) =	sbr.rel $0x88, $3  }
0x1: {  	(tag) =	ssettag $0x0;
	lr =	simm.s32 $0x1  }
0x2: {  	[smem:$0x3F9F] =	sst lr;
	_ =	strace $0xD0000000  }
0x3: {  	_ = 	snop  }
0x4: {  	_ = 	snop  }
0x5: {  	_ = 	snop  }
0x6: {  	_ = 	snop  }
0x7: {  	_ = 	snop  }
__scs_overlays_trampoline_lowered:
0x8: {  	[smem:$0x3FAE] =	sst s0  }
0x9: {  	[smem:$0x3FAF] =	sst s1  }
0xa: {  	[smem:$0x3FB0] =	sst s2  }
0xb: {  	[smem:$0x3FB1] =	sst s3  }
0xc: {  	[smem:$0x3FB2] =	sst s4  }
0xd: {  	[smem:$0x3FB3] =	sst s5  }
0xe: {  	[smem:$0x3FB4] =	sst s6  }
0xf: {  	[smem:$0x3FB5] =	sst s7  }
0x10: {  	[smem:$0x3FB6] =	sst s8  }
0x11: {  	[smem:$0x3FB7] =	sst s9;
	s0 =	simm.s32 @!p0 $0x0  }
0x12: {  	s1 =	sld [smem:$0x3F9D];
	s0 =	simm.s32 @p0 $0x1  }
0x13: {  	[smem:$0x3FB8] =	sst s0;
	s0 =	simm.s32 @!p1 $0x0  }
0x14: {  	s2 =	sld [smem:$0x3F9C];
	s0 =	simm.s32 @p1 $0x1  }
0x15: {  	[smem:$0x3FB9] =	sst s0;
	s0 =	simm.s32 @!p2 $0x0  }
0x16: {  	s3 =	sld [smem:$0x3FDB];
	s0 =	simm.s32 @p2 $0x1  }
0x17: {  	s4 =	simm.s32 $0x1BF5;
	[smem:$0x3FBB] =	sst s0  }
0x18: {  	s0 =	sld [smem:$0x3F9E];
	_ =	swait.ge [sflag:s4], $0x0  }
0x19: {  	s7 =	sld [smem:$0x3F9F]  }
0x1a: {  	s8 =	sadd.s32 $0xFFFFE003, lr  }
0x1b: {  	s9 =	sadd.s32 $0xFFFFFEF7, lr;
	s5 =	simm.s32 $0xFFFFFFFF;
	p2 =	slt.u32 s8, $0xFFFFF086  }
0x1c: {  	p1 =	slt.u32 s9, $0xF7A;
	s5 =	simm.s32 @!p2 $0x0  }
0x1d: {  	s5 =	simm.s32 @p1 $0x1;
	p0 =	seq.s32 s7, s2  }
0x1e: {  	s7 =	smul.u32 @!p0 $0xF7A, s2;
	p2 =	seq.s32 @!p0 s5, $0x0  }
0x1f: {  	s9 =	smul.u32 $0xF7A, s1;
	s8 =	simm.s32 @!p0 $0x1BF5;
	p2 =	por !p2, p0  }
0x20: {  	[sflag:s8] =	ssyncset.s32 @!p0 $0xFFFFF086;
	s6 =	sadd.s32 @!p0 s3, s7;
	s7 =	simm.s32 @!p0 $0x108  }
0x21: {  	s3 =	sadd.s32 s3, s9;
	s6 =	sadd.s32 @!p0 $0x88, s6;
	s7 =	simm.s32 @p2 $0x1082  }
0x22: {  	[simem:s7], [sflag:s8] =	dma.local @!p0 [hbm:s6], $0xF7A  }
0x23: {  	s9 =	sor.u32 $0xD0000000, s2;
	s6 =	simm.s32 $0x108;
	_ =	swait.ge @!p0 [sflag:s8], $0x0  }
0x24: {  	s3 =	sadd.s32 $0x88, s3;
	s6 =	simm.s32 @!p1 $0x1082;
	[sflag:s4] =	ssyncset.s32 $0xFFFFF086  }
0x25: {  	[simem:s6], [sflag:s4] =	dma.local [hbm:s3], $0xF7A  }
0x26: {  	[smem:$0x3F9F] =	sst s1;
	(tag) =	ssettag s2;
	_ =	strace s9  }
0x27: {  	s1 =	sld [smem:$0x3FAF]  }
0x28: {  	s2 =	sld [smem:$0x3FB0]  }
0x29: {  	s4 =	sld [smem:$0x3FB2]  }
0x2a: {  	p0 =	seq.s32 s5, $0x0;
	s5 =	sld [smem:$0x3FB3]  }
0x2b: {  	s6 =	sld [smem:$0x3FB4]  }
0x2c: {  	s7 =	sld [smem:$0x3FB5]  }
0x2d: {  	s3 =	simm.s32 $0x108;
	s8 =	sld [smem:$0x3FB6]  }
0x2e: {  	s3 =	simm.s32 @!p0 $0x1082;
	s9 =	sld [smem:$0x3FB7]  }
0x2f: {  	lr =	sadd.s32 s0, s3;
	s0 =	sld [smem:$0x3FAE]  }
0x30: {  	s3 =	sld [smem:$0x3FB1]  }
0x31: {  	[smem:$0x3FBA] =	sst s10  }
0x32: {  	s10 =	sld [smem:$0x3FB8];
	_ =	sdelay $0x3  }
0x33: {  	p0 =	seq.s32 s10, $0x1;
	s10 =	sld [smem:$0x3FBA];
	_ =	sdelay $0x3  }
0x34: {  	[smem:$0x3FBA] =	sst s10  }
0x35: {  	s10 =	sld [smem:$0x3FB9];
	_ =	sdelay $0x3  }
0x36: {  	p1 =	seq.s32 s10, $0x1;
	s10 =	sld [smem:$0x3FBA];
	_ =	sdelay $0x3  }
0x37: {  	[smem:$0x3FBA] =	sst s10  }
0x38: {  	s10 =	sld [smem:$0x3FBB]  }
0x39: {  	_ = 	snop;
	(pc) =	sbr.ind lr, $3  }
0x3a: {  	_ = 	snop  }
0x3b: {  	_ = 	snop  }
0x3c: {  	p2 =	seq.s32 s10, $0x1;
	s10 =	sld [smem:$0x3FBA]  }
0x3d: {  	_ =	shalt  }
0x3e: {  	_ =	shalt  }
0x3f: {  	_ =	shalt  }
0x40: {  	_ =	shalt  }
0x41: {  	_ =	shalt  }
0x42: {  	_ =	shalt  }
0x43: {  	_ =	shalt  }
0x44: {  	_ =	shalt  }
0x45: {  	_ =	shalt  }
0x46: {  	_ =	shalt  }
0x47: {  	_ =	shalt  }
0x48: {  	_ =	shalt  }
0x49: {  	_ =	shalt  }
0x4a: {  	_ =	shalt  }
0x4b: {  	_ =	shalt  }
0x4c: {  	_ =	shalt  }
0x4d: {  	_ =	shalt  }
0x4e: {  	_ =	shalt  }
0x4f: {  	_ =	shalt  }
0x50: {  	_ =	shalt  }
0x51: {  	_ =	shalt  }
0x52: {  	_ =	shalt  }
0x53: {  	_ =	shalt  }
0x54: {  	_ =	shalt  }
0x55: {  	_ =	shalt  }
0x56: {  	_ =	shalt  }
0x57: {  	_ =	shalt  }
0x58: {  	_ =	shalt  }
0x59: {  	_ =	shalt  }
0x5a: {  	_ =	shalt  }
0x5b: {  	_ =	shalt  }
0x5c: {  	_ =	shalt  }
0x5d: {  	_ =	shalt  }
0x5e: {  	_ =	shalt  }
0x5f: {  	_ =	shalt  }
0x60: {  	_ =	shalt  }
0x61: {  	_ =	shalt  }
0x62: {  	_ =	shalt  }
0x63: {  	_ =	shalt  }
0x64: {  	_ =	shalt  }
0x65: {  	_ =	shalt  }
0x66: {  	_ =	shalt  }
0x67: {  	_ =	shalt  }
0x68: {  	_ =	shalt  }
0x69: {  	_ =	shalt  }
0x6a: {  	_ =	shalt  }
0x6b: {  	_ =	shalt  }
0x6c: {  	_ =	shalt  }
0x6d: {  	_ =	shalt  }
0x6e: {  	_ =	shalt  }
0x6f: {  	_ =	shalt  }
0x70: {  	_ =	shalt  }
0x71: {  	_ =	shalt  }
0x72: {  	_ =	shalt  }
0x73: {  	_ =	shalt  }
0x74: {  	_ =	shalt  }
0x75: {  	_ =	shalt  }
0x76: {  	_ =	shalt  }
0x77: {  	_ =	shalt  }
0x78: {  	_ =	shalt  }
0x79: {  	_ =	shalt  }
0x7a: {  	_ =	shalt  }
0x7b: {  	_ =	shalt  }
0x7c: {  	_ =	shalt  }
0x7d: {  	_ =	shalt  }
0x7e: {  	_ =	shalt  }
0x7f: {  	_ =	shalt  }
0x80: {  	_ =	shalt  }
0x81: {  	_ =	shalt  }
0x82: {  	_ =	shalt  }
0x83: {  	_ =	shalt  }
0x84: {  	_ =	shalt  }
0x85: {  	_ =	shalt  }
0x86: {  	_ =	shalt  }
0x87: {  	_ =	shalt  }
.Lfunc_end0:
.L_simem_size_0:
called_computation.2_lowered:
.L_overlay_start_0:
0x88: {  	s2 =	sld [smem:$0x3FD9]  }
0x89: {  	s3 =	sld [smem:$0x3FFE];
	_ =	sdelay $0x1  }
0x8a: {  	s1 =	srdreg.scid  }
0x8b: {  	s0 =	sand.u32 $0x1, s1  }
0x8c: {  	s17 =	sshll.u32 s0, $0xA;
	s2 =	sadd.s32 s3, s2  }
0x8d: {  	s2 =	sadd.s32 s2, s17  }
0x8e: {  	[smem:$0x3FC6] =	sst s2  }
0x8f: {  	_ = 	snop  }
0x90: {  	(tm) =	ssettm $0x1  }
0x91: {  	s18 =	sld [smem:$0x3FFB];
	_ =	sdelay $0x3  }
0x92: {  	_ =	strace s18  }
0x93: {  	s2 =	sld [smem:$0x3FFC];
	_ =	sdelay $0x3  }
0x94: {  	_ =	strace s2  }
0x95: {  	s2 =	sld [smem:$0x3FFD];
	_ =	sdelay $0x3  }
0x96: {  	_ =	strace s2  }
0x97: {  	_ =	strace $0x8FFFFFFF  }
0x98: {  	s19 =	sld [smem:$0x3FDB];
	_ =	sdelay $0x1  }
0x99: {  	s20 =	simm.s32 $_scs_section_size  }
0x9a: {  	s4 =	simm.s32 $_size__tile_overlayer_lowered;
	s5 =	simm.s32 $_tile_overlayer_lowered  }
0x9b: {  	s6 =	simm.s32 $0x1BFF;
	s21 =	sshll.u32 s5, $0x1;
	s3 =	sadd.s32 s20, s19  }
0x9c: {  	s22 =	simm.s32 $0x0;
	s4 =	sshll.u32 s4, $0x1;
	s5 =	sadd.s32 s21, s3  }
0x9d: {  	[timem:s22], [sflag:s6] =	dma.local [hbm:s5], s4  }
0x9e: {  	_ =	swait.ge [sflag:s6], s4  }
0x9f: {  	s4 =	ssub.s32 $0x0, s4;
	[sflag:s6] =	ssyncset.done $0x0  }
0xa0: {  	[sflag:s6] =	ssyncadd.s32 s4;
	_ =	sdelay $0x1  }
0xa1: {  	s23 =	simm.s32 $0x1B8B  }
0xa2: {  	_ =	swait.ge [sflag:s23], $0x1  }
0xa3: {  	[sflag:s23] =	ssyncset.done $0x0  }
0xa4: {  	[sflag:s23] =	ssyncadd.s32 $0xFFFFFFFF  }
0xa5: {  	s4 =	sld [smem:$0x0]  }
0xa6: {  	s5 =	sand.u32 $0xFFFFFFFE, s1  }
0xa7: {  	p0 =	sne.s32 s1, s5  }
0xa8: {  	s5 =	sshll.u32 @p0 s5, $0xE  }
0xa9: {  	s5 =	sadd.s32 @p0 $0x11B8D, s5;
	s6 =	sshll.u32 @p0 s4, $0x11  }
0xaa: {  	s5 =	sor.u32 @p0 s6, s5  }
0xab: {  	[sflag:s5] =	ssyncadd.remote.s32 @p0 $0x1;
	_ =	sdelay $0x1  }
0xac: {  	s5 =	simm.s32 @p0 $0x1B8D  }
0xad: {  	_ =	swait.eq @p0 [sflag:s5], $0x1  }
0xae: {  	[sflag:s5] =	ssyncadd.s32 @p0 $0xFFFFFFFF  }
0xaf: {  	s6 =	sshll.u32 @!p0 s1, $0xE  }
0xb0: {  	s6 =	sor.u32 @!p0 $0x4000, s6;
	s5 =	simm.s32 @!p0 $0x1B8D  }
0xb1: {  	s4 =	sshll.u32 @!p0 s4, $0x11;
	s6 =	sadd.s32 @!p0 $0x11B8D, s6;
	_ =	swait.eq @!p0 [sflag:s5], $0x1  }
0xb2: {  	s4 =	sor.u32 @!p0 s4, s6;
	[sflag:s5] =	ssyncadd.s32 @!p0 $0xFFFFFFFF  }
0xb3: {  	s25 =	simm.s32 $0x1B8E;
	s24 =	sld [smem:$0x3FFE];
	[sflag:s4] =	ssyncadd.remote.s32 @!p0 $0x1  }
0xb4: {  	s26 =	simm.s32 $execute0_lowered;
	[smem:$0x3FD2] =	sst s25  }
0xb5: {  	s5 =	sshll.u32 s26, $0x1;
	_ =	strace $0x80000049;
	[dreg:$0x1] =	wrdreg $0xFFFFFFFF  }
0xb6: {  	s28 =	simm.s32 $_size_execute0_lowered;
	s3 =	sadd.s32 s3, s5;
	[dreg:$0x0] =	wrdreg $0x0  }
0xb7: {  	s5 =	sshll.u32 s28, $0x1;
	[dreg:$0x2] =	wrdreg s3  }
0xb8: {  	[dreg:$0x3] =	wrdreg s5  }
0xb9: {  	[dreg:$0x4] =	wrdreg $0xC0  }
0xba: {  	_ =	task [dreg:s22], $0x5FFFF  }
0xbb: {  	[dreg:$0x1] =	wrdreg $0xFFFFFFFF  }
0xbc: {  	[dreg:$0x0] =	wrdreg $0x60  }
0xbd: {  	[dreg:$0x2] =	wrdreg s24  }
0xbe: {  	[dreg:$0x3] =	wrdreg $0xB  }
0xbf: {  	_ =	task.clear_ibuf [dreg:s22], $0x4FFFF;
	_ =	strace $0x90000049  }
0xc0: {  	s29 =	simm.s32 $0xB;
	_ =	strace $0x8000004B  }
0xc1: {  	_ =	swait.ge [sflag:s29], $0x1  }
0xc2: {  	[sflag:s29] =	ssyncadd.s32 $0xFFFFFFFF  }
0xc3: {  	_ =	strace $0x9000004B  }
0xc4: {  	_ =	sfence  }
0xc5: {  	s30 =	sld [smem:$0x0];
	_ =	sdelay $0x2  }
0xc6: {  	s31 =	sshll.u32 s1, $0xD;
	s1 =	sshrl.u32 s1, $0x2  }
0xc7: {  	s4 =	sand.u32 $0x4000, s31;
	s1 =	sadd.s32 s1, s30  }
0xc8: {  	s0 =	sor.u32 s4, s0;
	s1 =	sshll.u32 s1, $0x11  }
0xc9: {  	s0 =	sor.u32 s1, s0  }
0xca: {  	s0 =	sadd.s32 $0x8F2B, s0  }
0xcb: {  	[sflag:s0] =	ssyncadd.remote.s32 $0x1  }
0xcc: {  	_ =	sfence.sel $0xFFFF  }
0xcd: {  	[dreg:$0x0] =	wrdreg $0xFFFFFFFF;
	(pc) =	sbr.abs _section_cstart, $3  }
0xce: {  	[dreg:$0x1] =	wrdreg $0xFFFFFFFF  }
0xcf: {  	_ =	task.clear_ibuf [dreg:s22], $0x2FFFF;
	_ =	strace $0x9FFFFFFF  }
0xd0: {  	(tm) =	ssettm $0x7FFFFFFF  }
0xd1: {  	_ =	shalt  }
tec
execute0_lowered:
.L_overlay_start_1:
0x0: {  	(tag) =	ssettag $0x1  }
0x1: {  	s2 =	rddreg [dreg:$0x0]  }
0x2: {  	s0 =	rddreg [dreg:$0x1]  }
0x3: {  	s1 =	stileid.u32;
	s5 =	srdreg.scid  }
0x4: {  	s3 =	simm.s32 $0x0;
	s9 =	simm.s32 $0x880;
	s10 =	simm.s32 $0x1080  }
0x5: {  	s11 =	simm.s32 $0x1880;
	s12 =	simm.s32 $0x2080;
	s13 =	simm.s32 $0x2880  }
0x6: {  	s14 =	simm.s32 $0x3080;
	s15 =	simm.s32 $0x3880;
	s16 =	simm.s32 $0x4080  }
0x7: {  	s17 =	simm.s32 $0x4880;
	s18 =	simm.s32 $0x5080;
	s19 =	simm.s32 $0x5880  }
0x8: {  	s20 =	simm.s32 $0x6080;
	s21 =	simm.s32 $0x6880;
	s4 =	smul.u32 $0xC4, s1  }
0x9: {  	s22 =	simm.s32 $0x1;
	s5 =	sand.u32 $0x1, s5;
	s6 =	smul.u32 $0x62000, s1  }
0xa: {  	s23 =	simm.s32 $0x0;
	[smem:$0x7FF] =	sst s3;
	s7 =	smul.u32 $0x31000, s5  }
0xb: {  	_ =	strace $0x8000004A;
	s8 =	ssub.s32 $0x2, s5;
	s5 =	smul.u32 $0x62, s5  }
0xc: {  	s4 =	sadd.s32 s4, s2;
	s31 =	sshrl.u32 s8, $0x1;
	s6 =	sadd.s32 s7, s6  }
0xd: {  	v2 =	vlaneseq.u32;
	s7 =	ssub.s32 s8, s31;
	s5 =	sadd.s32 s5, s4;
	s6 =	sshrl.u32 s6, $0x3  }
0xe: {  	vm0 =	vmmov $0xffff;
	v1 =	vshrl.u32 v2, $0x3;
	s8 =	simm.s32 $0x80;
	s4 =	smax.u32 s7, $0x1;
	s6 =	sadd.s32 s6, s2  }
0xf: {  	v0 =	vand.u32 $0x7, v2;
	v2 =	vor.u32 $0x8, v2;
	v1 =	vmul.u32 $0x8, v1;
	s5 =	sadd.s32 $0xCB000, s5;
	s7 =	simm.s32 $0x2;
	s6 =	sadd.s32 $0xCBE00, s6  }
.LBB2_1:
0x10: {  	s24 =	smov.u32 s6;
	s25 =	smov.u32 s5;
	s26 =	simm.s32 $0x0  }
.LBB2_2:
0x11: {  	[tilespmem:s3], [sflag:$0x2] =	stream.linear.gather [hbm4b:s25+s3], $0x70, $0x38;
	[tilespmem:$0x7080] =	vst v63  }
0x12: {  	_ =	swait.ge [sflag:s7], $0x70  }
0x13: {  	[sflag:s7] =	ssyncset.done $0x0  }
0x14: {  	[sflag:s7] =	ssyncadd.s32 $0xFFFFFF90  }
0x15: {  	v3 =	vld [tilespmem:$0x0];
	_ =	sdelay $0x4  }
0x16: {  	v4 =	vshll.u32 v3, $0x1  }
0x17: {  	v3 =	vand.u32 $0x7, v3;
	v4 =	vand.u32 $0xFFFFFFF0, v4  }
0x18: {  	v3 =	vor.u32 v3, v4  }
0x19: {  	v4 =	vperm.xlane v3, v0;
	_ =	sdelay $0x1  }
0x1a: {  	v3 =	vperm.xlane v3, v2;
	v4 =	vadd.s32 v1, v4;
	_ =	sdelay $0x1  }
0x1b: {  	v3 =	vadd.s32 v1, v3;
	_ =	sdelay $0x2  }
0x1c: {  	[tilespmem:s8], [sflag:$0x1] =	stream.indirect_vreg.gather [hbm4b:s2+s3], $0x80, v4, vm0, $0xb8;
	[tilespmem:$0x7080] =	vst v63  }
0x1d: {  	_ = 	snop  }
0x1e: {  	[tilespmem:s9], [sflag:$0x1] =	stream.indirect_vreg.gather [hbm4b:s2+s3], $0x80, v3, vm0, $0xb8;
	[tilespmem:$0x7080] =	vst v63  }
0x1f: {  	v3 =	vld [tilespmem:$0x10];
	_ =	sdelay $0x4  }
0x20: {  	v58 =	vshll.u32 v3, $0x1  }
0x21: {  	v3 =	vand.u32 $0x7, v3;
	v4 =	vand.u32 $0xFFFFFFF0, v58  }
0x22: {  	v3 =	vor.u32 v3, v4  }
0x23: {  	v4 =	vperm.xlane v3, v0;
	_ =	sdelay $0x1  }
0x24: {  	v3 =	vperm.xlane v3, v2;
	v4 =	vadd.s32 v1, v4;
	_ =	sdelay $0x1  }
0x25: {  	v3 =	vadd.s32 v1, v3;
	_ =	sdelay $0x2  }
0x26: {  	[tilespmem:s10], [sflag:$0x1] =	stream.indirect_vreg.gather [hbm4b:s2+s3], $0x80, v4, vm0, $0xb8;
	[tilespmem:$0x7080] =	vst v63  }
0x27: {  	_ = 	snop  }
0x28: {  	[tilespmem:s11], [sflag:$0x1] =	stream.indirect_vreg.gather [hbm4b:s2+s3], $0x80, v3, vm0, $0xb8;
	[tilespmem:$0x7080] =	vst v63  }
0x29: {  	v3 =	vld [tilespmem:$0x20];
	_ =	sdelay $0x4  }
0x2a: {  	v59 =	vshll.u32 v3, $0x1  }
0x2b: {  	v3 =	vand.u32 $0x7, v3;
	v4 =	vand.u32 $0xFFFFFFF0, v59  }
0x2c: {  	v3 =	vor.u32 v3, v4  }
0x2d: {  	v4 =	vperm.xlane v3, v0;
	_ =	sdelay $0x1  }
0x2e: {  	v3 =	vperm.xlane v3, v2;
	v4 =	vadd.s32 v1, v4;
	_ =	sdelay $0x1  }
0x2f: {  	v3 =	vadd.s32 v1, v3;
	_ =	sdelay $0x2  }
0x30: {  	[tilespmem:s12], [sflag:$0x1] =	stream.indirect_vreg.gather [hbm4b:s2+s3], $0x80, v4, vm0, $0xb8;
	[tilespmem:$0x7080] =	vst v63  }
0x31: {  	_ = 	snop  }
0x32: {  	[tilespmem:s13], [sflag:$0x1] =	stream.indirect_vreg.gather [hbm4b:s2+s3], $0x80, v3, vm0, $0xb8;
	[tilespmem:$0x7080] =	vst v63  }
0x33: {  	v3 =	vld [tilespmem:$0x30];
	_ =	sdelay $0x4  }
0x34: {  	v60 =	vshll.u32 v3, $0x1  }
0x35: {  	v3 =	vand.u32 $0x7, v3;
	v4 =	vand.u32 $0xFFFFFFF0, v60  }
0x36: {  	v3 =	vor.u32 v3, v4  }
0x37: {  	v4 =	vperm.xlane v3, v0;
	_ =	sdelay $0x1  }
0x38: {  	v3 =	vperm.xlane v3, v2;
	v4 =	vadd.s32 v1, v4;
	_ =	sdelay $0x1  }
0x39: {  	v3 =	vadd.s32 v1, v3;
	_ =	sdelay $0x2  }
0x3a: {  	[tilespmem:s14], [sflag:$0x1] =	stream.indirect_vreg.gather [hbm4b:s2+s3], $0x80, v4, vm0, $0xb8;
	[tilespmem:$0x7080] =	vst v63  }
0x3b: {  	_ = 	snop  }
0x3c: {  	[tilespmem:s15], [sflag:$0x1] =	stream.indirect_vreg.gather [hbm4b:s2+s3], $0x80, v3, vm0, $0xb8;
	[tilespmem:$0x7080] =	vst v63  }
0x3d: {  	v3 =	vld [tilespmem:$0x40];
	_ =	sdelay $0x4  }
0x3e: {  	v61 =	vshll.u32 v3, $0x1  }
0x3f: {  	v3 =	vand.u32 $0x7, v3;
	v4 =	vand.u32 $0xFFFFFFF0, v61  }
0x40: {  	v3 =	vor.u32 v3, v4  }
0x41: {  	v4 =	vperm.xlane v3, v0;
	_ =	sdelay $0x1  }
0x42: {  	v3 =	vperm.xlane v3, v2;
	v4 =	vadd.s32 v1, v4;
	_ =	sdelay $0x1  }
0x43: {  	v3 =	vadd.s32 v1, v3;
	_ =	sdelay $0x2  }
0x44: {  	[tilespmem:s16], [sflag:$0x1] =	stream.indirect_vreg.gather [hbm4b:s2+s3], $0x80, v4, vm0, $0xb8;
	[tilespmem:$0x7080] =	vst v63  }
0x45: {  	_ = 	snop  }
0x46: {  	[tilespmem:s17], [sflag:$0x1] =	stream.indirect_vreg.gather [hbm4b:s2+s3], $0x80, v3, vm0, $0xb8;
	[tilespmem:$0x7080] =	vst v63  }
0x47: {  	v3 =	vld [tilespmem:$0x50];
	_ =	sdelay $0x4  }
0x48: {  	v62 =	vshll.u32 v3, $0x1  }
0x49: {  	v3 =	vand.u32 $0x7, v3;
	v4 =	vand.u32 $0xFFFFFFF0, v62  }
0x4a: {  	v3 =	vor.u32 v3, v4  }
0x4b: {  	v4 =	vperm.xlane v3, v0;
	_ =	sdelay $0x1  }
0x4c: {  	v3 =	vperm.xlane v3, v2;
	v4 =	vadd.s32 v1, v4;
	_ =	sdelay $0x1  }
0x4d: {  	v3 =	vadd.s32 v1, v3;
	_ =	sdelay $0x2  }
0x4e: {  	[tilespmem:s18], [sflag:$0x1] =	stream.indirect_vreg.gather [hbm4b:s2+s3], $0x80, v4, vm0, $0xb8;
	[tilespmem:$0x7080] =	vst v63  }
0x4f: {  	_ = 	snop  }
0x50: {  	[tilespmem:s19], [sflag:$0x1] =	stream.indirect_vreg.gather [hbm4b:s2+s3], $0x80, v3, vm0, $0xb8;
	[tilespmem:$0x7080] =	vst v63  }
0x51: {  	v3 =	vld [tilespmem:$0x60];
	_ =	sdelay $0x4  }
0x52: {  	v63 =	vshll.u32 v3, $0x1  }
0x53: {  	v3 =	vand.u32 $0x7, v3;
	v4 =	vand.u32 $0xFFFFFFF0, v63  }
0x54: {  	v3 =	vor.u32 v3, v4  }
0x55: {  	v4 =	vperm.xlane v3, v0;
	_ =	sdelay $0x1  }
0x56: {  	v3 =	vperm.xlane v3, v2;
	v4 =	vadd.s32 v1, v4;
	_ =	sdelay $0x1  }
0x57: {  	v3 =	vadd.s32 v1, v3;
	_ =	sdelay $0x2  }
0x58: {  	[tilespmem:s20], [sflag:$0x1] =	stream.indirect_vreg.gather [hbm4b:s2+s3], $0x80, v4, vm0, $0xb8;
	[tilespmem:$0x7080] =	vst v63  }
0x59: {  	_ = 	snop  }
0x5a: {  	[tilespmem:s21], [sflag:$0x1] =	stream.indirect_vreg.gather [hbm4b:s2+s3], $0x80, v3, vm0, $0xb8;
	[tilespmem:$0x7080] =	vst v63  }
0x5b: {  	_ =	swait.ge [sflag:s22], $0x7000  }
0x5c: {  	p0 =	sne.s32 s26, $0x6;
	[sflag:s22] =	ssyncset.done $0x0  }
.Ltmp0:
0x5d: {  	[sflag:s22] =	ssyncadd.s32 $0xFFFF9000;
	(pc) =	sbr.rel @p0 .LBB2_2-.Ltmp0, $4  }
0x5e: {  	[hbm4b:s24+s3] =	stream.linear.scatter [tilespmem:s8], [sflag:$0x2], $0x7000, $0x38;
	[tilespmem:$0x7080] =	vst v63  }
0x5f: {  	_ =	swait.ge [sflag:s7], $0x7000  }
0x60: {  	s25 =	sadd.s32 $0xE, s25;
	[sflag:s7] =	ssyncset.done $0x0  }
0x61: {  	s26 =	sadd.s32 $0x1, s26;
	s24 =	sadd.s32 $0xE00, s24;
	[sflag:s7] =	ssyncadd.s32 $0xFFFF9000  }
0x62: {  	s23 =	sadd.s32 $0x1, s23  }
0x63: {  	p0 =	sne.s32 s23, s4  }
.Ltmp1:
0x64: {  	_ = 	snop;
	(pc) =	sbr.rel @p0 .LBB2_1-.Ltmp1, $1  }
0x65: {  	_ =	sdelay $0x3  }
0x66: {  	_ =	sfence.sel $0x180000  }
0x67: {  	[bflag:$0x0] =	sbarrier.arrive $0xFFFF  }
0x68: {  	p0 =	sne.s32 s1, $0x0;
	_ =	strace $0x9000004A  }
0x69: {  	s0 =	sadd.s32 @!p0 $0x100000, s0;
	[bflag:$0x2] =	sbarrier.arrive $0xFFFF  }
0x6a: {  	[sflag:s0] =	ssyncadd.tile.s32 @!p0 $0x1;
	_ =	shalt  }
.Lfunc_end2:
_tile_overlayer_lowered:
.L_overlay_start_2:
0x6b: {  	(tag) =	ssettag $0x2  }
0x6c: {  	s0 =	rddreg [dreg:$0x0];
	s2 =	stileid.u32  }
0x6d: {  	s1 =	rddreg [dreg:$0x1];
	p0 =	sne.s32 s2, $0x0  }
0x6e: {  	s3 =	rddreg [dreg:$0x2];
	[bflag:$0x3] =	sbarrier.arrive $0xFFFF;
	s2 =	simm.s32 @!p0 $0x1C02  }
0x6f: {  	[timem:s3], [sflag:s2] =	dma.local @!p0 [hbm:s0], s1  }
0x70: {  	s0 =	simm.s32 @!p0 $0x2  }
0x71: {  	_ =	swait.ge @!p0 [sflag:s0], s1  }
0x72: {  	s1 =	ssub.s32 @!p0 $0x0, s1;
	[sflag:s0] =	ssyncset.done @!p0 $0x0  }
0x73: {  	[sflag:s0] =	ssyncadd.s32 @!p0 s1  }
0x74: {  	[bflag:$0x3] =	sbarrier.arrive $0xFFFF  }
0x75: {  	_ =	shalt  }

// kernel: kernel.19.cloned.1.call-start
scs
__scs_entry_jumppad:
0x0: {  	(pc) =	sbr.rel $0x88, $3  }
0x1: {  	(tag) =	ssettag $0x0;
	lr =	simm.s32 $0x1  }
0x2: {  	[smem:$0x3F9F] =	sst lr;
	_ =	strace $0xD0000000  }
0x3: {  	_ = 	snop  }
0x4: {  	_ = 	snop  }
0x5: {  	_ = 	snop  }
0x6: {  	_ = 	snop  }
0x7: {  	_ = 	snop  }
__scs_overlays_trampoline_lowered:
0x8: {  	[smem:$0x3FAE] =	sst s0  }
0x9: {  	[smem:$0x3FAF] =	sst s1  }
0xa: {  	[smem:$0x3FB0] =	sst s2  }
0xb: {  	[smem:$0x3FB1] =	sst s3  }
0xc: {  	[smem:$0x3FB2] =	sst s4  }
0xd: {  	[smem:$0x3FB3] =	sst s5  }
0xe: {  	[smem:$0x3FB4] =	sst s6  }
0xf: {  	[smem:$0x3FB5] =	sst s7  }
0x10: {  	[smem:$0x3FB6] =	sst s8  }
0x11: {  	[smem:$0x3FB7] =	sst s9;
	s0 =	simm.s32 @!p0 $0x0  }
0x12: {  	s1 =	sld [smem:$0x3F9D];
	s0 =	simm.s32 @p0 $0x1  }
0x13: {  	[smem:$0x3FB8] =	sst s0;
	s0 =	simm.s32 @!p1 $0x0  }
0x14: {  	s2 =	sld [smem:$0x3F9C];
	s0 =	simm.s32 @p1 $0x1  }
0x15: {  	[smem:$0x3FB9] =	sst s0;
	s0 =	simm.s32 @!p2 $0x0  }
0x16: {  	s3 =	sld [smem:$0x3FDB];
	s0 =	simm.s32 @p2 $0x1  }
0x17: {  	s4 =	simm.s32 $0x1BF5;
	[smem:$0x3FBB] =	sst s0  }
0x18: {  	s0 =	sld [smem:$0x3F9E];
	_ =	swait.ge [sflag:s4], $0x0  }
0x19: {  	s7 =	sld [smem:$0x3F9F]  }
0x1a: {  	s8 =	sadd.s32 $0xFFFFE003, lr  }
0x1b: {  	s9 =	sadd.s32 $0xFFFFFEF7, lr;
	s5 =	simm.s32 $0xFFFFFFFF;
	p2 =	slt.u32 s8, $0xFFFFF086  }
0x1c: {  	p1 =	slt.u32 s9, $0xF7A;
	s5 =	simm.s32 @!p2 $0x0  }
0x1d: {  	s5 =	simm.s32 @p1 $0x1;
	p0 =	seq.s32 s7, s2  }
0x1e: {  	s7 =	smul.u32 @!p0 $0xF7A, s2;
	p2 =	seq.s32 @!p0 s5, $0x0  }
0x1f: {  	s9 =	smul.u32 $0xF7A, s1;
	s8 =	simm.s32 @!p0 $0x1BF5;
	p2 =	por !p2, p0  }
0x20: {  	[sflag:s8] =	ssyncset.s32 @!p0 $0xFFFFF086;
	s6 =	sadd.s32 @!p0 s3, s7;
	s7 =	simm.s32 @!p0 $0x108  }
0x21: {  	s3 =	sadd.s32 s3, s9;
	s6 =	sadd.s32 @!p0 $0x88, s6;
	s7 =	simm.s32 @p2 $0x1082  }
0x22: {  	[simem:s7], [sflag:s8] =	dma.local @!p0 [hbm:s6], $0xF7A  }
0x23: {  	s9 =	sor.u32 $0xD0000000, s2;
	s6 =	simm.s32 $0x108;
	_ =	swait.ge @!p0 [sflag:s8], $0x0  }
0x24: {  	s3 =	sadd.s32 $0x88, s3;
	s6 =	simm.s32 @!p1 $0x1082;
	[sflag:s4] =	ssyncset.s32 $0xFFFFF086  }
0x25: {  	[simem:s6], [sflag:s4] =	dma.local [hbm:s3], $0xF7A  }
0x26: {  	[smem:$0x3F9F] =	sst s1;
	(tag) =	ssettag s2;
	_ =	strace s9  }
0x27: {  	s1 =	sld [smem:$0x3FAF]  }
0x28: {  	s2 =	sld [smem:$0x3FB0]  }
0x29: {  	s4 =	sld [smem:$0x3FB2]  }
0x2a: {  	p0 =	seq.s32 s5, $0x0;
	s5 =	sld [smem:$0x3FB3]  }
0x2b: {  	s6 =	sld [smem:$0x3FB4]  }
0x2c: {  	s7 =	sld [smem:$0x3FB5]  }
0x2d: {  	s3 =	simm.s32 $0x108;
	s8 =	sld [smem:$0x3FB6]  }
0x2e: {  	s3 =	simm.s32 @!p0 $0x1082;
	s9 =	sld [smem:$0x3FB7]  }
0x2f: {  	lr =	sadd.s32 s0, s3;
	s0 =	sld [smem:$0x3FAE]  }
0x30: {  	s3 =	sld [smem:$0x3FB1]  }
0x31: {  	[smem:$0x3FBA] =	sst s10  }
0x32: {  	s10 =	sld [smem:$0x3FB8];
	_ =	sdelay $0x3  }
0x33: {  	p0 =	seq.s32 s10, $0x1;
	s10 =	sld [smem:$0x3FBA];
	_ =	sdelay $0x3  }
0x34: {  	[smem:$0x3FBA] =	sst s10  }
0x35: {  	s10 =	sld [smem:$0x3FB9];
	_ =	sdelay $0x3  }
0x36: {  	p1 =	seq.s32 s10, $0x1;
	s10 =	sld [smem:$0x3FBA];
	_ =	sdelay $0x3  }
0x37: {  	[smem:$0x3FBA] =	sst s10  }
0x38: {  	s10 =	sld [smem:$0x3FBB]  }
0x39: {  	_ = 	snop;
	(pc) =	sbr.ind lr, $3  }
0x3a: {  	_ = 	snop  }
0x3b: {  	_ = 	snop  }
0x3c: {  	p2 =	seq.s32 s10, $0x1;
	s10 =	sld [smem:$0x3FBA]  }
0x3d: {  	_ =	shalt  }
0x3e: {  	_ =	shalt  }
0x3f: {  	_ =	shalt  }
0x40: {  	_ =	shalt  }
0x41: {  	_ =	shalt  }
0x42: {  	_ =	shalt  }
0x43: {  	_ =	shalt  }
0x44: {  	_ =	shalt  }
0x45: {  	_ =	shalt  }
0x46: {  	_ =	shalt  }
0x47: {  	_ =	shalt  }
0x48: {  	_ =	shalt  }
0x49: {  	_ =	shalt  }
0x4a: {  	_ =	shalt  }
0x4b: {  	_ =	shalt  }
0x4c: {  	_ =	shalt  }
0x4d: {  	_ =	shalt  }
0x4e: {  	_ =	shalt  }
0x4f: {  	_ =	shalt  }
0x50: {  	_ =	shalt  }
0x51: {  	_ =	shalt  }
0x52: {  	_ =	shalt  }
0x53: {  	_ =	shalt  }
0x54: {  	_ =	shalt  }
0x55: {  	_ =	shalt  }
0x56: {  	_ =	shalt  }
0x57: {  	_ =	shalt  }
0x58: {  	_ =	shalt  }
0x59: {  	_ =	shalt  }
0x5a: {  	_ =	shalt  }
0x5b: {  	_ =	shalt  }
0x5c: {  	_ =	shalt  }
0x5d: {  	_ =	shalt  }
0x5e: {  	_ =	shalt  }
0x5f: {  	_ =	shalt  }
0x60: {  	_ =	shalt  }
0x61: {  	_ =	shalt  }
0x62: {  	_ =	shalt  }
0x63: {  	_ =	shalt  }
0x64: {  	_ =	shalt  }
0x65: {  	_ =	shalt  }
0x66: {  	_ =	shalt  }
0x67: {  	_ =	shalt  }
0x68: {  	_ =	shalt  }
0x69: {  	_ =	shalt  }
0x6a: {  	_ =	shalt  }
0x6b: {  	_ =	shalt  }
0x6c: {  	_ =	shalt  }
0x6d: {  	_ =	shalt  }
0x6e: {  	_ =	shalt  }
0x6f: {  	_ =	shalt  }
0x70: {  	_ =	shalt  }
0x71: {  	_ =	shalt  }
0x72: {  	_ =	shalt  }
0x73: {  	_ =	shalt  }
0x74: {  	_ =	shalt  }
0x75: {  	_ =	shalt  }
0x76: {  	_ =	shalt  }
0x77: {  	_ =	shalt  }
0x78: {  	_ =	shalt  }
0x79: {  	_ =	shalt  }
0x7a: {  	_ =	shalt  }
0x7b: {  	_ =	shalt  }
0x7c: {  	_ =	shalt  }
0x7d: {  	_ =	shalt  }
0x7e: {  	_ =	shalt  }
0x7f: {  	_ =	shalt  }
0x80: {  	_ =	shalt  }
0x81: {  	_ =	shalt  }
0x82: {  	_ =	shalt  }
0x83: {  	_ =	shalt  }
0x84: {  	_ =	shalt  }
0x85: {  	_ =	shalt  }
0x86: {  	_ =	shalt  }
0x87: {  	_ =	shalt  }
.Lfunc_end0:
.L_simem_size_0:
called_computation.3_lowered:
.L_overlay_start_0:
0x88: {  	s2 =	sld [smem:$0x3FD9]  }
0x89: {  	s3 =	sld [smem:$0x3FFE];
	_ =	sdelay $0x1  }
0x8a: {  	s1 =	srdreg.scid  }
0x8b: {  	s0 =	sand.u32 $0x1, s1  }
0x8c: {  	s17 =	sshll.u32 s0, $0xA;
	s2 =	sadd.s32 s3, s2  }
0x8d: {  	s2 =	sadd.s32 s2, s17  }
0x8e: {  	[smem:$0x3FC6] =	sst s2  }
0x8f: {  	_ = 	snop  }
0x90: {  	s18 =	sld [smem:$0x3FD0];
	(tm) =	ssettm $0x1  }
0x91: {  	s19 =	sld [smem:$0x3FFB];
	_ =	sdelay $0x3  }
0x92: {  	_ =	strace s19  }
0x93: {  	s2 =	sld [smem:$0x3FFC];
	_ =	sdelay $0x3  }
0x94: {  	_ =	strace s2  }
0x95: {  	s2 =	sld [smem:$0x3FFD];
	_ =	sdelay $0x3  }
0x96: {  	_ =	strace s2  }
0x97: {  	_ =	strace $0x8FFFFFFF  }
0x98: {  	s20 =	sld [smem:$0x3FDB];
	_ =	sdelay $0x1  }
0x99: {  	s4 =	simm.s32 $_scs_section_size  }
0x9a: {  	s5 =	simm.s32 $_size__tile_overlayer_lowered;
	s6 =	simm.s32 $_tile_overlayer_lowered  }
0x9b: {  	s7 =	simm.s32 $0x1BFF;
	s21 =	sshll.u32 s6, $0x1;
	s4 =	sadd.s32 s4, s20  }
0x9c: {  	s22 =	simm.s32 $0x0;
	s5 =	sshll.u32 s5, $0x1;
	s6 =	sadd.s32 s21, s4  }
0x9d: {  	[timem:s22], [sflag:s7] =	dma.local [hbm:s6], s5  }
0x9e: {  	_ =	swait.ge [sflag:s7], s5  }
0x9f: {  	s5 =	ssub.s32 $0x0, s5;
	[sflag:s7] =	ssyncset.done $0x0  }
0xa0: {  	[sflag:s7] =	ssyncadd.s32 s5;
	_ =	sdelay $0x1  }
0xa1: {  	s23 =	simm.s32 $0x1B8B  }
0xa2: {  	_ =	swait.ge [sflag:s23], $0x1  }
0xa3: {  	[sflag:s23] =	ssyncset.done $0x0  }
0xa4: {  	[sflag:s23] =	ssyncadd.s32 $0xFFFFFFFF  }
0xa5: {  	s5 =	sld [smem:$0x0]  }
0xa6: {  	s6 =	sand.u32 $0xFFFFFFFE, s1  }
0xa7: {  	p0 =	sne.s32 s1, s6  }
0xa8: {  	s6 =	sshll.u32 @p0 s6, $0xE  }
0xa9: {  	s6 =	sadd.s32 @p0 $0x11B8D, s6;
	s7 =	sshll.u32 @p0 s5, $0x11  }
0xaa: {  	s6 =	sor.u32 @p0 s7, s6  }
0xab: {  	[sflag:s6] =	ssyncadd.remote.s32 @p0 $0x1;
	_ =	sdelay $0x1  }
0xac: {  	s6 =	simm.s32 @p0 $0x1B8D  }
0xad: {  	_ =	swait.eq @p0 [sflag:s6], $0x1  }
0xae: {  	[sflag:s6] =	ssyncadd.s32 @p0 $0xFFFFFFFF  }
0xaf: {  	s7 =	sshll.u32 @!p0 s1, $0xE  }
0xb0: {  	s7 =	sor.u32 @!p0 $0x4000, s7;
	s6 =	simm.s32 @!p0 $0x1B8D  }
0xb1: {  	s5 =	sshll.u32 @!p0 s5, $0x11;
	s7 =	sadd.s32 @!p0 $0x11B8D, s7;
	_ =	swait.eq @!p0 [sflag:s6], $0x1  }
0xb2: {  	s5 =	sor.u32 @!p0 s5, s7;
	[sflag:s6] =	ssyncadd.s32 @!p0 $0xFFFFFFFF  }
0xb3: {  	s25 =	simm.s32 $0x1B8E;
	s24 =	sld [smem:$0x3FFE];
	[sflag:s5] =	ssyncadd.remote.s32 @!p0 $0x1  }
0xb4: {  	s26 =	simm.s32 $execute0_lowered;
	[smem:$0x3FD2] =	sst s25  }
0xb5: {  	s6 =	sshll.u32 s26, $0x1;
	_ =	strace $0x8000004F;
	[dreg:$0x1] =	wrdreg $0xFFFFFFFF  }
0xb6: {  	s28 =	simm.s32 $_size_execute0_lowered;
	s4 =	sadd.s32 s4, s6;
	[dreg:$0x0] =	wrdreg $0x0  }
0xb7: {  	s6 =	sshll.u32 s28, $0x1;
	[dreg:$0x2] =	wrdreg s4  }
0xb8: {  	[dreg:$0x3] =	wrdreg s6  }
0xb9: {  	[dreg:$0x4] =	wrdreg $0xC0  }
0xba: {  	_ =	task [dreg:s22], $0x5FFFF  }
0xbb: {  	[dreg:$0x1] =	wrdreg $0xFFFFFFFF  }
0xbc: {  	[dreg:$0x0] =	wrdreg $0x60  }
0xbd: {  	[dreg:$0x2] =	wrdreg s24  }
0xbe: {  	[dreg:$0x3] =	wrdreg s18  }
0xbf: {  	[dreg:$0x4] =	wrdreg $0xC  }
0xc0: {  	_ =	task.clear_ibuf [dreg:s22], $0x5FFFF;
	_ =	strace $0x9000004F  }
0xc1: {  	s29 =	simm.s32 $0xC;
	_ =	strace $0x80000051  }
0xc2: {  	_ =	swait.ge [sflag:s29], $0x1  }
0xc3: {  	[sflag:s29] =	ssyncadd.s32 $0xFFFFFFFF  }
0xc4: {  	_ =	strace $0x90000051  }
0xc5: {  	_ =	sfence  }
0xc6: {  	s30 =	sld [smem:$0x0];
	_ =	sdelay $0x2  }
0xc7: {  	s31 =	sshll.u32 s1, $0xD;
	s1 =	sshrl.u32 s1, $0x2  }
0xc8: {  	s4 =	sand.u32 $0x4000, s31;
	s1 =	sadd.s32 s1, s30  }
0xc9: {  	s0 =	sor.u32 s4, s0;
	s1 =	sshll.u32 s1, $0x11  }
0xca: {  	s0 =	sor.u32 s1, s0  }
0xcb: {  	s0 =	sadd.s32 $0x8F2B, s0  }
0xcc: {  	[sflag:s0] =	ssyncadd.remote.s32 $0x1  }
0xcd: {  	_ =	sfence.sel $0xFFFF  }
0xce: {  	[dreg:$0x0] =	wrdreg $0xFFFFFFFF;
	(pc) =	sbr.abs _section_cstart, $3  }
0xcf: {  	[dreg:$0x1] =	wrdreg $0xFFFFFFFF  }
0xd0: {  	_ =	task.clear_ibuf [dreg:s22], $0x2FFFF;
	_ =	strace $0x9FFFFFFF  }
0xd1: {  	(tm) =	ssettm $0x7FFFFFFF  }
tec
execute0_lowered:
.L_overlay_start_1:
0x0: {  	(tag) =	ssettag $0x1  }
0x1: {  	s2 =	rddreg [dreg:$0x0]  }
0x2: {  	s4 =	rddreg [dreg:$0x1]  }
0x3: {  	s0 =	rddreg [dreg:$0x2];
	s5 =	srdreg.scid  }
0x4: {  	s1 =	stileid.u32;
	s3 =	simm.s32 $0x0;
	s10 =	simm.s32 $0x1080  }
0x5: {  	s11 =	simm.s32 $0x1880;
	s12 =	simm.s32 $0x2080;
	s13 =	simm.s32 $0x2880  }
0x6: {  	s14 =	simm.s32 $0x3080;
	s15 =	simm.s32 $0x3880;
	s16 =	simm.s32 $0x4080  }
0x7: {  	s17 =	simm.s32 $0x4880;
	s18 =	simm.s32 $0x5080;
	s19 =	simm.s32 $0x5880  }
0x8: {  	s20 =	simm.s32 $0x6080;
	s21 =	simm.s32 $0x6880;
	s6 =	smul.u32 $0x62000, s1  }
0x9: {  	s22 =	simm.s32 $0x1;
	s5 =	sand.u32 $0x1, s5;
	s9 =	smul.u32 $0xC4, s1  }
0xa: {  	s23 =	simm.s32 $0x0;
	[smem:$0x7FF] =	sst s3;
	s7 =	smul.u32 $0x31000, s5  }
0xb: {  	_ =	strace $0x80000050;
	s8 =	ssub.s32 $0x2, s5;
	s5 =	smul.u32 $0x62, s5  }
0xc: {  	s30 =	sshrl.u32 s8, $0x1;
	s31 =	sadd.s32 s9, s4;
	s6 =	sadd.s32 s7, s6  }
0xd: {  	v2 =	vlaneseq.u32;
	s9 =	simm.s32 $0x880;
	s7 =	ssub.s32 s8, s30;
	s6 =	sshrl.u32 s6, $0x3  }
0xe: {  	vm0 =	vmmov $0xffff;
	v1 =	vshrl.u32 v2, $0x3;
	s5 =	sadd.s32 s5, s31;
	s8 =	simm.s32 $0x80;
	s6 =	sadd.s32 s6, s2  }
0xf: {  	v0 =	vand.u32 $0x7, v2;
	v2 =	vor.u32 $0x8, v2;
	v1 =	vmul.u32 $0x8, v1;
	s4 =	smax.u32 s7, $0x1;
	s7 =	simm.s32 $0x2;
	s6 =	sadd.s32 $0x254C00, s6  }
.LBB2_1:
0x10: {  	s24 =	smov.u32 s6;
	s25 =	smov.u32 s5;
	s26 =	simm.s32 $0x0  }
.LBB2_2:
0x11: {  	[tilespmem:s3], [sflag:$0x2] =	stream.linear.gather [hbm4b:s25+s3], $0x70, $0x38;
	[tilespmem:$0x7080] =	vst v63  }
0x12: {  	_ =	swait.ge [sflag:s7], $0x70  }
0x13: {  	[sflag:s7] =	ssyncset.done $0x0  }
0x14: {  	[sflag:s7] =	ssyncadd.s32 $0xFFFFFF90  }
0x15: {  	v3 =	vld [tilespmem:$0x0];
	_ =	sdelay $0x4  }
0x16: {  	v4 =	vshll.u32 v3, $0x1  }
0x17: {  	v3 =	vand.u32 $0x7, v3;
	v4 =	vand.u32 $0xFFFFFFF0, v4  }
0x18: {  	v3 =	vor.u32 v3, v4  }
0x19: {  	v4 =	vperm.xlane v3, v0;
	_ =	sdelay $0x1  }
0x1a: {  	v3 =	vperm.xlane v3, v2;
	v4 =	vadd.s32 v1, v4;
	_ =	sdelay $0x1  }
0x1b: {  	v3 =	vadd.s32 v1, v3;
	_ =	sdelay $0x2  }
0x1c: {  	[tilespmem:s8], [sflag:$0x1] =	stream.indirect_vreg.gather [hbm4b:s2+s3], $0x80, v4, vm0, $0xb8;
	[tilespmem:$0x7080] =	vst v63  }
0x1d: {  	_ = 	snop  }
0x1e: {  	[tilespmem:s9], [sflag:$0x1] =	stream.indirect_vreg.gather [hbm4b:s2+s3], $0x80, v3, vm0, $0xb8;
	[tilespmem:$0x7080] =	vst v63  }
0x1f: {  	v3 =	vld [tilespmem:$0x10];
	_ =	sdelay $0x4  }
0x20: {  	v58 =	vshll.u32 v3, $0x1  }
0x21: {  	v3 =	vand.u32 $0x7, v3;
	v4 =	vand.u32 $0xFFFFFFF0, v58  }
0x22: {  	v3 =	vor.u32 v3, v4  }
0x23: {  	v4 =	vperm.xlane v3, v0;
	_ =	sdelay $0x1  }
0x24: {  	v3 =	vperm.xlane v3, v2;
	v4 =	vadd.s32 v1, v4;
	_ =	sdelay $0x1  }
0x25: {  	v3 =	vadd.s32 v1, v3;
	_ =	sdelay $0x2  }
0x26: {  	[tilespmem:s10], [sflag:$0x1] =	stream.indirect_vreg.gather [hbm4b:s2+s3], $0x80, v4, vm0, $0xb8;
	[tilespmem:$0x7080] =	vst v63  }
0x27: {  	_ = 	snop  }
0x28: {  	[tilespmem:s11], [sflag:$0x1] =	stream.indirect_vreg.gather [hbm4b:s2+s3], $0x80, v3, vm0, $0xb8;
	[tilespmem:$0x7080] =	vst v63  }
0x29: {  	v3 =	vld [tilespmem:$0x20];
	_ =	sdelay $0x4  }
0x2a: {  	v59 =	vshll.u32 v3, $0x1  }
0x2b: {  	v3 =	vand.u32 $0x7, v3;
	v4 =	vand.u32 $0xFFFFFFF0, v59  }
0x2c: {  	v3 =	vor.u32 v3, v4  }
0x2d: {  	v4 =	vperm.xlane v3, v0;
	_ =	sdelay $0x1  }
0x2e: {  	v3 =	vperm.xlane v3, v2;
	v4 =	vadd.s32 v1, v4;
	_ =	sdelay $0x1  }
0x2f: {  	v3 =	vadd.s32 v1, v3;
	_ =	sdelay $0x2  }
0x30: {  	[tilespmem:s12], [sflag:$0x1] =	stream.indirect_vreg.gather [hbm4b:s2+s3], $0x80, v4, vm0, $0xb8;
	[tilespmem:$0x7080] =	vst v63  }
0x31: {  	_ = 	snop  }
0x32: {  	[tilespmem:s13], [sflag:$0x1] =	stream.indirect_vreg.gather [hbm4b:s2+s3], $0x80, v3, vm0, $0xb8;
	[tilespmem:$0x7080] =	vst v63  }
0x33: {  	v3 =	vld [tilespmem:$0x30];
	_ =	sdelay $0x4  }
0x34: {  	v60 =	vshll.u32 v3, $0x1  }
0x35: {  	v3 =	vand.u32 $0x7, v3;
	v4 =	vand.u32 $0xFFFFFFF0, v60  }
0x36: {  	v3 =	vor.u32 v3, v4  }
0x37: {  	v4 =	vperm.xlane v3, v0;
	_ =	sdelay $0x1  }
0x38: {  	v3 =	vperm.xlane v3, v2;
	v4 =	vadd.s32 v1, v4;
	_ =	sdelay $0x1  }
0x39: {  	v3 =	vadd.s32 v1, v3;
	_ =	sdelay $0x2  }
0x3a: {  	[tilespmem:s14], [sflag:$0x1] =	stream.indirect_vreg.gather [hbm4b:s2+s3], $0x80, v4, vm0, $0xb8;
	[tilespmem:$0x7080] =	vst v63  }
0x3b: {  	_ = 	snop  }
0x3c: {  	[tilespmem:s15], [sflag:$0x1] =	stream.indirect_vreg.gather [hbm4b:s2+s3], $0x80, v3, vm0, $0xb8;
	[tilespmem:$0x7080] =	vst v63  }
0x3d: {  	v3 =	vld [tilespmem:$0x40];
	_ =	sdelay $0x4  }
0x3e: {  	v61 =	vshll.u32 v3, $0x1  }
0x3f: {  	v3 =	vand.u32 $0x7, v3;
	v4 =	vand.u32 $0xFFFFFFF0, v61  }
0x40: {  	v3 =	vor.u32 v3, v4  }
0x41: {  	v4 =	vperm.xlane v3, v0;
	_ =	sdelay $0x1  }
0x42: {  	v3 =	vperm.xlane v3, v2;
	v4 =	vadd.s32 v1, v4;
	_ =	sdelay $0x1  }
0x43: {  	v3 =	vadd.s32 v1, v3;
	_ =	sdelay $0x2  }
0x44: {  	[tilespmem:s16], [sflag:$0x1] =	stream.indirect_vreg.gather [hbm4b:s2+s3], $0x80, v4, vm0, $0xb8;
	[tilespmem:$0x7080] =	vst v63  }
0x45: {  	_ = 	snop  }
0x46: {  	[tilespmem:s17], [sflag:$0x1] =	stream.indirect_vreg.gather [hbm4b:s2+s3], $0x80, v3, vm0, $0xb8;
	[tilespmem:$0x7080] =	vst v63  }
0x47: {  	v3 =	vld [tilespmem:$0x50];
	_ =	sdelay $0x4  }
0x48: {  	v62 =	vshll.u32 v3, $0x1  }
0x49: {  	v3 =	vand.u32 $0x7, v3;
	v4 =	vand.u32 $0xFFFFFFF0, v62  }
0x4a: {  	v3 =	vor.u32 v3, v4  }
0x4b: {  	v4 =	vperm.xlane v3, v0;
	_ =	sdelay $0x1  }
0x4c: {  	v3 =	vperm.xlane v3, v2;
	v4 =	vadd.s32 v1, v4;
	_ =	sdelay $0x1  }
0x4d: {  	v3 =	vadd.s32 v1, v3;
	_ =	sdelay $0x2  }
0x4e: {  	[tilespmem:s18], [sflag:$0x1] =	stream.indirect_vreg.gather [hbm4b:s2+s3], $0x80, v4, vm0, $0xb8;
	[tilespmem:$0x7080] =	vst v63  }
0x4f: {  	_ = 	snop  }
0x50: {  	[tilespmem:s19], [sflag:$0x1] =	stream.indirect_vreg.gather [hbm4b:s2+s3], $0x80, v3, vm0, $0xb8;
	[tilespmem:$0x7080] =	vst v63  }
0x51: {  	v3 =	vld [tilespmem:$0x60];
	_ =	sdelay $0x4  }
0x52: {  	v63 =	vshll.u32 v3, $0x1  }
0x53: {  	v3 =	vand.u32 $0x7, v3;
	v4 =	vand.u32 $0xFFFFFFF0, v63  }
0x54: {  	v3 =	vor.u32 v3, v4  }
0x55: {  	v4 =	vperm.xlane v3, v0;
	_ =	sdelay $0x1  }
0x56: {  	v3 =	vperm.xlane v3, v2;
	v4 =	vadd.s32 v1, v4;
	_ =	sdelay $0x1  }
0x57: {  	v3 =	vadd.s32 v1, v3;
	_ =	sdelay $0x2  }
0x58: {  	[tilespmem:s20], [sflag:$0x1] =	stream.indirect_vreg.gather [hbm4b:s2+s3], $0x80, v4, vm0, $0xb8;
	[tilespmem:$0x7080] =	vst v63  }
0x59: {  	_ = 	snop  }
0x5a: {  	[tilespmem:s21], [sflag:$0x1] =	stream.indirect_vreg.gather [hbm4b:s2+s3], $0x80, v3, vm0, $0xb8;
	[tilespmem:$0x7080] =	vst v63  }
0x5b: {  	_ =	swait.ge [sflag:s22], $0x7000  }
0x5c: {  	p0 =	sne.s32 s26, $0x6;
	[sflag:s22] =	ssyncset.done $0x0  }
.Ltmp0:
0x5d: {  	[sflag:s22] =	ssyncadd.s32 $0xFFFF9000;
	(pc) =	sbr.rel @p0 .LBB2_2-.Ltmp0, $4  }
0x5e: {  	[hbm4b:s24+s3] =	stream.linear.scatter [tilespmem:s8], [sflag:$0x2], $0x7000, $0x38;
	[tilespmem:$0x7080] =	vst v63  }
0x5f: {  	_ =	swait.ge [sflag:s7], $0x7000  }
0x60: {  	s25 =	sadd.s32 $0xE, s25;
	[sflag:s7] =	ssyncset.done $0x0  }
0x61: {  	s26 =	sadd.s32 $0x1, s26;
	s24 =	sadd.s32 $0xE00, s24;
	[sflag:s7] =	ssyncadd.s32 $0xFFFF9000  }
0x62: {  	s23 =	sadd.s32 $0x1, s23  }
0x63: {  	p0 =	sne.s32 s23, s4  }
.Ltmp1:
0x64: {  	_ = 	snop;
	(pc) =	sbr.rel @p0 .LBB2_1-.Ltmp1, $1  }
0x65: {  	_ =	sdelay $0x3  }
0x66: {  	_ =	sfence.sel $0x180000  }
0x67: {  	[bflag:$0x0] =	sbarrier.arrive $0xFFFF  }
0x68: {  	p0 =	sne.s32 s1, $0x0;
	_ =	strace $0x90000050  }
0x69: {  	s0 =	sadd.s32 @!p0 $0x100000, s0;
	[bflag:$0x2] =	sbarrier.arrive $0xFFFF  }
0x6a: {  	[sflag:s0] =	ssyncadd.tile.s32 @!p0 $0x1;
	_ =	shalt  }
.Lfunc_end2:
_tile_overlayer_lowered:
.L_overlay_start_2:
0x6b: {  	(tag) =	ssettag $0x2  }
0x6c: {  	s0 =	rddreg [dreg:$0x0];
	s2 =	stileid.u32  }
0x6d: {  	s1 =	rddreg [dreg:$0x1];
	p0 =	sne.s32 s2, $0x0  }
0x6e: {  	s3 =	rddreg [dreg:$0x2];
	[bflag:$0x3] =	sbarrier.arrive $0xFFFF;
	s2 =	simm.s32 @!p0 $0x1C02  }
0x6f: {  	[timem:s3], [sflag:s2] =	dma.local @!p0 [hbm:s0], s1  }
0x70: {  	s0 =	simm.s32 @!p0 $0x2  }
0x71: {  	_ =	swait.ge @!p0 [sflag:s0], s1  }
0x72: {  	s1 =	ssub.s32 @!p0 $0x0, s1;
	[sflag:s0] =	ssyncset.done @!p0 $0x0  }
0x73: {  	[sflag:s0] =	ssyncadd.s32 @!p0 s1  }
0x74: {  	[bflag:$0x3] =	sbarrier.arrive $0xFFFF  }
0x75: {  	_ =	shalt  }

</sc_bundles>
